<compile_context>
chip_gen: v7x
topology: tpu7x:2x2x1
jax: 0.10.2.dev20260603
libtpu: 0.0.44.dev20260713+nightly
codegen_flags: <defaults>
</compile_context>

<pallas_src>
import jax
import jax.numpy as jnp
from jax import lax
from jax.experimental import pallas as pl
from jax.experimental.pallas import tpu as pltpu
from jax.experimental.pallas import tpu_sc as plsc

N_NODES = 100000
NPAD = 100352
RPT = NPAD // 16
F = 16
M = NPAD // 8
MR = N_NODES // 8

NW = 32
BIGC = 512
NGRP = 196
EPW = NGRP * BIGC
EPAD = NW * EPW

BR = 448
NG = M // BR


def _make_edge_aggregate(with_cnt):
  mesh = plsc.VectorSubcoreMesh(core_axis_name="c", subcore_axis_name="s",
                                num_cores=2, num_subcores=16)

  out_type = [jax.ShapeDtypeStruct((2, NPAD, F), jnp.float32)]
  scratch = [
      pltpu.VMEM_SHARED((NPAD, F), jnp.float32),
      pltpu.VMEM((2, BIGC), jnp.int32),
      pltpu.VMEM((2, BIGC), jnp.int32),
      pltpu.VMEM((2, BIGC, F), jnp.float32),
      pltpu.SemaphoreType.DMA,
      pltpu.SemaphoreType.DMA,
      pltpu.SemaphoreType.DMA,
      pltpu.SemaphoreType.DMA,
  ]
  if with_cnt:
    out_type.append(jax.ShapeDtypeStruct((2, NPAD), jnp.float32))
    scratch += [
        pltpu.VMEM_SHARED((NPAD,), jnp.float32),
        pltpu.VMEM((BIGC,), jnp.float32),
    ]

  def body(*refs):
    if with_cnt:
      (y_hbm, src_hbm, dst_hbm, z16_hbm, z1_hbm, out_hbm, cnt_hbm,
       acc_sh, sidx, didx, rows, gs0, gs1, ss0, ss1, cnt_sh, ones_v) = refs
    else:
      (y_hbm, src_hbm, dst_hbm, z16_hbm, out_hbm,
       acc_sh, sidx, didx, rows, gs0, gs1, ss0, ss1) = refs
    gsem = (gs0, gs1)
    ssem = (ss0, ss1)

    c = lax.axis_index("c")
    s = lax.axis_index("s")
    w = s * 2 + c
    row0 = s * RPT
    base = w * EPW

    def stage(p, g):
      pltpu.sync_copy(src_hbm.at[pl.ds(base + g * BIGC, BIGC)], sidx.at[p])
      pltpu.sync_copy(dst_hbm.at[pl.ds(base + g * BIGC, BIGC)], didx.at[p])

    def fire_g(p):
      pltpu.async_copy(y_hbm.at[sidx.at[p]], rows.at[p], gsem[p])

    def wait_g(p):
      pltpu.make_async_copy(y_hbm.at[sidx.at[p]], rows.at[p], gsem[p]).wait()

    def fire_s(p):
      pltpu.async_copy(rows.at[p], acc_sh.at[didx.at[p]], ssem[p], add=True)
      if with_cnt:
        pltpu.async_copy(ones_v, cnt_sh.at[didx.at[p]], ssem[p], add=True)

    def wait_s(p):
      pltpu.make_async_copy(rows.at[p], acc_sh.at[didx.at[p]],
                            ssem[p]).wait()
      if with_cnt:
        pltpu.make_async_copy(ones_v, cnt_sh.at[didx.at[p]],
                              ssem[p]).wait()

    pltpu.sync_copy(z16_hbm.at[pl.ds(row0, RPT)], acc_sh.at[pl.ds(row0, RPT)])
    if with_cnt:
      pltpu.sync_copy(z1_hbm.at[pl.ds(row0, RPT)], cnt_sh.at[pl.ds(row0, RPT)])
      for i in range(BIGC // 16):
        ones_v[pl.ds(i * 16, 16)] = jnp.full((16,), 1.0, jnp.float32)
    plsc.subcore_barrier()

    stage(0, 0)
    fire_g(0)

    def group2(i, carry):
      g = 2 * i
      stage(1, g + 1)
      fire_g(1)
      wait_g(0)
      fire_s(0)
      wait_s(0)

      @pl.when(i < NGRP // 2 - 1)
      def _():
        stage(0, g + 2)
        fire_g(0)

      wait_g(1)
      fire_s(1)
      wait_s(1)
      return carry

    lax.fori_loop(0, NGRP // 2, group2, 0)
    plsc.subcore_barrier()

    pltpu.sync_copy(acc_sh.at[pl.ds(row0, RPT)],
                    out_hbm.at[c, pl.ds(row0, RPT)])
    if with_cnt:
      pltpu.sync_copy(cnt_sh.at[pl.ds(row0, RPT)],
                      cnt_hbm.at[c, pl.ds(row0, RPT)])

  return pl.kernel(body,
                   out_type=tuple(out_type) if with_cnt else out_type[0],
                   mesh=mesh, scratch_types=scratch,
                   compiler_params=pltpu.CompilerParams(
                       use_tc_tiling_on_sc=False))


_edge_agg_cnt = _make_edge_aggregate(True)
_edge_agg = _make_edge_aggregate(False)



def _msg_body(x2_ref, b1_ref, bb1_ref, o_ref):
  o_ref[...] = jnp.maximum(
      jnp.dot(x2_ref[...], b1_ref[...], preferred_element_type=jnp.float32)
      + bb1_ref[...], 0.0)


def _msg_table(x2, B1, b1r):
  return pl.pallas_call(
      _msg_body,
      grid=(NG,),
      in_specs=[pl.BlockSpec((BR, 24), lambda i: (i, 0)),
                pl.BlockSpec((24, 128), lambda i: (0, 0)),
                pl.BlockSpec((1, 128), lambda i: (0, 0))],
      out_specs=pl.BlockSpec((BR, 128), lambda i: (i, 0)),
      out_shape=jax.ShapeDtypeStruct((M, 128), jnp.float32),
  )(x2, B1, b1r)


def _upd1_body(x2_ref, s_ref, c_ref, r8_ref, kx_ref, km_ref, ba_ref,
               gm_ref, k2_ref, b2_ref, h_ref, y2_ref):
  rep = jnp.dot(c_ref[0] + c_ref[1], r8_ref[...],
                preferred_element_type=jnp.float32)
  mean = (s_ref[0] + s_ref[1]) / jnp.maximum(rep, 1.0)
  h = (jnp.dot(x2_ref[...], kx_ref[...], preferred_element_type=jnp.float32)
       + jnp.dot(mean, km_ref[...], preferred_element_type=jnp.float32)
       + ba_ref[...])
  h = jnp.maximum(h, 0.0)
  n2 = jnp.dot(h * h, gm_ref[...], preferred_element_type=jnp.float32)
  h = h / jnp.maximum(jnp.sqrt(n2), 1e-12)
  h_ref[...] = h
  y2_ref[...] = jnp.maximum(
      jnp.dot(h, k2_ref[...], preferred_element_type=jnp.float32)
      + b2_ref[...], 0.0)


def _update1(x2, s1p, c8, R8, K1x, K1m, b1ar, GM, K2l, b2lr):
  full = lambda a, b: pl.BlockSpec((a, b), lambda i: (0, 0))
  return pl.pallas_call(
      _upd1_body,
      grid=(NG,),
      in_specs=[pl.BlockSpec((BR, 24), lambda i: (i, 0)),
                pl.BlockSpec((2, BR, 128), lambda i: (0, i, 0)),
                pl.BlockSpec((2, BR, 8), lambda i: (0, i, 0)),
                full(8, 128), full(24, 128), full(128, 128), full(1, 128),
                full(128, 128), full(128, 128), full(1, 128)],
      out_specs=(pl.BlockSpec((BR, 128), lambda i: (i, 0)),
                 pl.BlockSpec((BR, 128), lambda i: (i, 0))),
      out_shape=(jax.ShapeDtypeStruct((M, 128), jnp.float32),
                 jax.ShapeDtypeStruct((M, 128), jnp.float32)),
  )(x2, s1p, c8, R8, K1x, K1m, b1ar, GM, K2l, b2lr)


def _upd2_body(h1_ref, s_ref, c_ref, r8_ref, kx_ref, km_ref, ba_ref,
               gm_ref, wo_ref, gs_ref, bo_ref, o8_ref):
  rep = jnp.dot(c_ref[0] + c_ref[1], r8_ref[...],
                preferred_element_type=jnp.float32)
  mean = (s_ref[0] + s_ref[1]) / jnp.maximum(rep, 1.0)
  h = (jnp.dot(h1_ref[...], kx_ref[...], preferred_element_type=jnp.float32)
       + jnp.dot(mean, km_ref[...], preferred_element_type=jnp.float32)
       + ba_ref[...])
  h = jnp.maximum(h, 0.0)
  n2 = jnp.dot(h * h, gm_ref[...], preferred_element_type=jnp.float32)
  h = h / jnp.maximum(jnp.sqrt(n2), 1e-12)
  o8_ref[...] = jnp.dot(h * wo_ref[...], gs_ref[...],
                        preferred_element_type=jnp.float32) + bo_ref[...]


def _update2(h1, s2p, c8, R8, K2x, K2m, b2ar, GM, worep, GS, bo8):
  full = lambda a, b: pl.BlockSpec((a, b), lambda i: (0, 0))
  return pl.pallas_call(
      _upd2_body,
      grid=(NG,),
      in_specs=[pl.BlockSpec((BR, 128), lambda i: (i, 0)),
                pl.BlockSpec((2, BR, 128), lambda i: (0, i, 0)),
                pl.BlockSpec((2, BR, 8), lambda i: (0, i, 0)),
                full(8, 128), full(128, 128), full(128, 128), full(1, 128),
                full(128, 128), full(1, 128), full(128, 8), full(1, 8)],
      out_specs=pl.BlockSpec((BR, 8), lambda i: (i, 0)),
      out_shape=jax.ShapeDtypeStruct((M, 8), jnp.float32),
  )(h1, s2p, c8, R8, K2x, K2m, b2ar, GM, worep, GS, bo8)


def kernel(x, edge_index, W1_lin, b1_lin, W1_agg, b1_agg,
           W2_lin, b2_lin, W2_agg, b2_agg, W_out, b_out):
  n = x.shape[0]
  e = edge_index.shape[1]
  f32 = jnp.float32

  x2 = jnp.concatenate([x.astype(f32).reshape(MR, 24),
                        jnp.zeros((M - MR, 24), f32)])

  src = edge_index[0].astype(jnp.int32)
  dst = edge_index[1].astype(jnp.int32)
  fill = jnp.full((EPAD - e,), n, jnp.int32)
  src_c = jnp.concatenate([src, fill])
  dst_c = jnp.concatenate([dst, fill])

  i8 = jnp.eye(8, dtype=f32)
  kron8 = lambda wmat: jnp.kron(i8, wmat.astype(f32))
  tile8 = lambda v: jnp.tile(v.astype(f32), 8)[None, :]

  B1 = kron8(W1_lin.T)
  b1r = tile8(b1_lin)
  w1t = W1_agg.T
  K1x = kron8(w1t[:3])
  K1m = kron8(w1t[3:])
  b1ar = tile8(b1_agg)
  K2l = kron8(W2_lin.T)
  b2lr = tile8(b2_lin)
  w2t = W2_agg.T
  K2x = kron8(w2t[:16])
  K2m = kron8(w2t[16:])
  b2ar = tile8(b2_agg)
  GM = kron8(jnp.ones((F, F), f32))
  R8 = kron8(jnp.ones((1, F), f32))
  sel = jnp.zeros((F, 1), f32).at[0, 0].set(1.0)
  GS = GM @ kron8(sel)
  worep = tile8(W_out[0])
  bo8 = jnp.tile(b_out.astype(f32), 8)[None, :]

  z16 = jnp.zeros((NPAD, F), f32)
  z1 = jnp.zeros((NPAD,), f32)

  y1 = _msg_table(x2, B1, b1r)
  s1, cnt = _edge_agg_cnt(y1.reshape(NPAD, F), src_c, dst_c, z16, z1)
  h1, y2 = _update1(x2, s1.reshape(2, M, 128), cnt.reshape(2, M, 8),
                    R8, K1x, K1m, b1ar, GM, K2l, b2lr)

  s2 = _edge_agg(y2.reshape(NPAD, F), src_c, dst_c, z16)
  out8 = _update2(h1, s2.reshape(2, M, 128), cnt.reshape(2, M, 8),
                  R8, K2x, K2m, b2ar, GM, worep, GS, bo8)
  return out8.reshape(NPAD, 1)[:n]

# --- scband reference (transcript-rebuilt; emitter-appended) ---
"""Pipeline reference for scband-traffic-sage-net-80874234183970 (READ-ONLY COPY).

The authoritative reference and input builder live on the scoring server;
editing this copy changes nothing except your own understanding.
"""

import jax, jax.numpy as jnp
import numpy as np

N_NODES = 100000
N_EDGES = 3200000

def _glorot(key, shape):
    fan_in = shape[1]
    bound = 1.0 / np.sqrt(fan_in)
    return jax.random.uniform(key, shape, dtype=jnp.float32, minval=-bound, maxval=bound)

def setup_inputs(seed: int = 0) -> dict:
    key = jax.random.key(seed)
    ks = jax.random.split(key, 12)
    x = jax.random.normal(ks[0], (N_NODES, 3), dtype=jnp.float32)
    edge_index = jax.random.randint(ks[1], (2, N_EDGES), 0, N_NODES, dtype=jnp.int64)
    # conv1: GraphSage(3, 16)
    W1_lin = _glorot(ks[2], (16, 3)); b1_lin = jnp.zeros((16,), jnp.float32)
    W1_agg = _glorot(ks[3], (16, 3 + 16)); b1_agg = jnp.zeros((16,), jnp.float32)
    # conv2: GraphSage(16, 16)
    W2_lin = _glorot(ks[4], (16, 16)); b2_lin = jnp.zeros((16,), jnp.float32)
    W2_agg = _glorot(ks[5], (16, 16 + 16)); b2_agg = jnp.zeros((16,), jnp.float32)
    # lin1: Linear(16, 1)
    W_out = _glorot(ks[6], (1, 16)); b_out = jnp.zeros((1,), jnp.float32)
    return {"x": x, "edge_index": edge_index,
            "W1_lin": W1_lin, "b1_lin": b1_lin, "W1_agg": W1_agg, "b1_agg": b1_agg,
            "W2_lin": W2_lin, "b2_lin": b2_lin, "W2_agg": W2_agg, "b2_agg": b2_agg,
            "W_out": W_out, "b_out": b_out}

def _sage_layer(x, edge_index, W_lin, b_lin, W_agg, b_agg):
    n = x.shape[0]
    src = edge_index[0]
    dst = edge_index[1]
    # message: relu(lin(x_j)) where x_j = x[src]
    msg = jax.nn.relu(x[src] @ W_lin.T + b_lin)
    # mean aggregation at dst
    s = jax.ops.segment_sum(msg, dst, num_segments=n)
    cnt = jax.ops.segment_sum(jnp.ones((edge_index.shape[1],), jnp.float32), dst, num_segments=n)
    mean = s / jnp.maximum(cnt, 1.0)[:, None]
    # update: relu(agg_lin(cat([x, aggr_out]))) then L2-normalize
    h = jax.nn.relu(jnp.concatenate([x, mean], axis=1) @ W_agg.T + b_agg)
    norm = jnp.sqrt(jnp.sum(h * h, axis=1, keepdims=True))
    h = h / jnp.maximum(norm, 1e-12)
    return h

def reference(x, edge_index, W1_lin, b1_lin, W1_agg, b1_agg, W2_lin, b2_lin, W2_agg, b2_agg, W_out, b_out):
    h = _sage_layer(x, edge_index, W1_lin, b1_lin, W1_agg, b1_agg)
    h = jax.nn.relu(h)
    # dropout is identity in eval mode
    h = _sage_layer(h, edge_index, W2_lin, b2_lin, W2_agg, b2_agg)
    h = jax.nn.relu(h)
    out = h @ W_out.T + b_out
    return out

if __name__ == "__main__":
    import jax
    _d = setup_inputs()
    print(jax.jit(kernel)(*tuple(_d.values())))

</pallas_src>

<mosaic_0001>
#map = affine_map<(d0, d1) -> (0, 0)>
#map1 = affine_map<(d0, d1) -> (0)>
#map2 = affine_map<(d0, d1) -> (0, 0, 0)>
module attributes {stable_mosaic.version = 14 : i64} {
  func.func @body(%arg0: i32, %arg1: i32, %arg2: memref<100352x16xf32, #tpu.memory_space<hbm>>, %arg3: memref<3211264xi32, #tpu.memory_space<hbm>>, %arg4: memref<3211264xi32, #tpu.memory_space<hbm>>, %arg5: memref<100352x16xf32, #tpu.memory_space<hbm>>, %arg6: memref<100352xf32, #tpu.memory_space<hbm>>, %arg7: memref<2x100352x16xf32, #tpu.memory_space<hbm>>, %arg8: memref<2x100352xf32, #tpu.memory_space<hbm>>, %arg9: memref<100352x16xf32, #tpu.memory_space<vmem_shared>>, %arg10: memref<2x512xi32, #tpu.memory_space<vmem>>, %arg11: memref<2x512xi32, #tpu.memory_space<vmem>>, %arg12: memref<2x512x16xf32, #tpu.memory_space<vmem>>, %arg13: memref<!tpu.dma_semaphore, #tpu.memory_space<semaphore_mem>>, %arg14: memref<!tpu.dma_semaphore, #tpu.memory_space<semaphore_mem>>, %arg15: memref<!tpu.dma_semaphore, #tpu.memory_space<semaphore_mem>>, %arg16: memref<!tpu.dma_semaphore, #tpu.memory_space<semaphore_mem>>, %arg17: memref<100352xf32, #tpu.memory_space<vmem_shared>>, %arg18: memref<512xf32, #tpu.memory_space<vmem>>) attributes {dimension_semantics = [#tpu.dimension_semantics<core_parallel>, #tpu.dimension_semantics<subcore_parallel>], iteration_bounds = array<i64: 2, 16>, scalar_prefetch = 0 : i64, scratch_operands = 10 : i64, tpu.core_type = #tpu.core_type<sc_vector_subcore>, window_params = [{transform_indices = #map}, {transform_indices = #map1}, {transform_indices = #map1}, {transform_indices = #map}, {transform_indices = #map1}, {transform_indices = #map2}, {transform_indices = #map}]} {
    %mul3A = arith.constant 2 : i32
    %mul3A_0 = arith.muli %arg1, %mul3A : i32
    %add3A = arith.addi %mul3A_0, %arg0 : i32
    %mul3A_1 = arith.constant 6272 : i32
    %mul3A_2 = arith.muli %arg1, %mul3A_1 : i32
    %mul3A_3 = arith.constant 100352 : i32
    %mul3A_4 = arith.muli %add3A, %mul3A_3 : i32
    "tpu.region"() ({
      %run_scoped3A_217 = tpu.sem_alloc : memref<!tpu.dma_semaphore, #tpu.memory_space<semaphore_mem>>
      %dma_start3A_218 = arith.constant 0 : i32
      %dma_start3A_219 = tpu.memref_slice %arg9[%mul3A_2, %dma_start3A_218] : memref<100352x16xf32, #tpu.memory_space<vmem_shared>> -> memref<6272x16xf32, #tpu.memory_space<vmem_shared>>
      %dma_start3A_220 = arith.constant 0 : i32
      %dma_start3A_221 = tpu.memref_slice %arg5[%mul3A_2, %dma_start3A_220] : memref<100352x16xf32, #tpu.memory_space<hbm>> -> memref<6272x16xf32, #tpu.memory_space<hbm>>
      tpu.enqueue_dma source(%dma_start3A_221 : memref<6272x16xf32, #tpu.memory_space<hbm>>) target(%dma_start3A_219 : memref<6272x16xf32, #tpu.memory_space<vmem_shared>>) target_semaphore(%run_scoped3A_217 : memref<!tpu.dma_semaphore, #tpu.memory_space<semaphore_mem>>)
      %dma_wait3A = arith.constant 0 : i32
      %dma_wait3A_222 = tpu.memref_slice %arg9[%mul3A_2, %dma_wait3A] : memref<100352x16xf32, #tpu.memory_space<vmem_shared>> -> memref<6272x16xf32, #tpu.memory_space<vmem_shared>>
      %dma_wait3A_223 = arith.constant 0 : i32
      %dma_wait3A_224 = tpu.memref_slice %arg5[%mul3A_2, %dma_wait3A_223] : memref<100352x16xf32, #tpu.memory_space<hbm>> -> memref<6272x16xf32, #tpu.memory_space<hbm>>
      tpu.wait_dma2 semaphore(%run_scoped3A_217 : memref<!tpu.dma_semaphore, #tpu.memory_space<semaphore_mem>>) src(%dma_wait3A_224 : memref<6272x16xf32, #tpu.memory_space<hbm>>) dst(%dma_wait3A_222 : memref<6272x16xf32, #tpu.memory_space<vmem_shared>>)
      tpu.yield
    }) : () -> ()
    "tpu.region"() ({
      %run_scoped3A_217 = tpu.sem_alloc : memref<!tpu.dma_semaphore, #tpu.memory_space<semaphore_mem>>
      %dma_start3A_218 = tpu.memref_slice %arg17[%mul3A_2] : memref<100352xf32, #tpu.memory_space<vmem_shared>> -> memref<6272xf32, #tpu.memory_space<vmem_shared>>
      %dma_start3A_219 = tpu.memref_slice %arg6[%mul3A_2] : memref<100352xf32, #tpu.memory_space<hbm>> -> memref<6272xf32, #tpu.memory_space<hbm>>
      tpu.enqueue_dma source(%dma_start3A_219 : memref<6272xf32, #tpu.memory_space<hbm>>) target(%dma_start3A_218 : memref<6272xf32, #tpu.memory_space<vmem_shared>>) target_semaphore(%run_scoped3A_217 : memref<!tpu.dma_semaphore, #tpu.memory_space<semaphore_mem>>)
      %dma_wait3A = tpu.memref_slice %arg17[%mul3A_2] : memref<100352xf32, #tpu.memory_space<vmem_shared>> -> memref<6272xf32, #tpu.memory_space<vmem_shared>>
      %dma_wait3A_220 = tpu.memref_slice %arg6[%mul3A_2] : memref<100352xf32, #tpu.memory_space<hbm>> -> memref<6272xf32, #tpu.memory_space<hbm>>
      tpu.wait_dma2 semaphore(%run_scoped3A_217 : memref<!tpu.dma_semaphore, #tpu.memory_space<semaphore_mem>>) src(%dma_wait3A_220 : memref<6272xf32, #tpu.memory_space<hbm>>) dst(%dma_wait3A : memref<6272xf32, #tpu.memory_space<vmem_shared>>)
      tpu.yield
    }) : () -> ()
    %broadcast_in_dim3A = arith.constant 1.000000e+00 : f32
    %broadcast_in_dim3A_5 = vector.broadcast %broadcast_in_dim3A : f32 to vector<16xf32>
    %swap3A = arith.constant 0 : index
    %swap3A_6 = tpu.vector_load %arg18[%swap3A] {strides = array<i32>} : memref<512xf32, #tpu.memory_space<vmem>>, vector<16xf32>,
    %swap3A_7 = vector.shape_cast %swap3A_6 : vector<16xf32> to vector<16xf32>
    %swap3A_8 = vector.shape_cast %broadcast_in_dim3A_5 : vector<16xf32> to vector<16xf32>
    tpu.vector_store %arg18[%swap3A], %swap3A_8 {strides = array<i32>} : memref<512xf32, #tpu.memory_space<vmem>>, vector<16xf32>,
    %broadcast_in_dim3A_9 = arith.constant 1.000000e+00 : f32
    %broadcast_in_dim3A_10 = vector.broadcast %broadcast_in_dim3A_9 : f32 to vector<16xf32>
    %swap3A_11 = arith.constant 16 : index
    %swap3A_12 = tpu.vector_load %arg18[%swap3A_11] {strides = array<i32>} : memref<512xf32, #tpu.memory_space<vmem>>, vector<16xf32>,
    %swap3A_13 = vector.shape_cast %swap3A_12 : vector<16xf32> to vector<16xf32>
    %swap3A_14 = vector.shape_cast %broadcast_in_dim3A_10 : vector<16xf32> to vector<16xf32>
    tpu.vector_store %arg18[%swap3A_11], %swap3A_14 {strides = array<i32>} : memref<512xf32, #tpu.memory_space<vmem>>, vector<16xf32>,
    %broadcast_in_dim3A_15 = arith.constant 1.000000e+00 : f32
    %broadcast_in_dim3A_16 = vector.broadcast %broadcast_in_dim3A_15 : f32 to vector<16xf32>
    %swap3A_17 = arith.constant 32 : index
    %swap3A_18 = tpu.vector_load %arg18[%swap3A_17] {strides = array<i32>} : memref<512xf32, #tpu.memory_space<vmem>>, vector<16xf32>,
    %swap3A_19 = vector.shape_cast %swap3A_18 : vector<16xf32> to vector<16xf32>
    %swap3A_20 = vector.shape_cast %broadcast_in_dim3A_16 : vector<16xf32> to vector<16xf32>
    tpu.vector_store %arg18[%swap3A_17], %swap3A_20 {strides = array<i32>} : memref<512xf32, #tpu.memory_space<vmem>>, vector<16xf32>,
    %broadcast_in_dim3A_21 = arith.constant 1.000000e+00 : f32
    %broadcast_in_dim3A_22 = vector.broadcast %broadcast_in_dim3A_21 : f32 to vector<16xf32>
    %swap3A_23 = arith.constant 48 : index
    %swap3A_24 = tpu.vector_load %arg18[%swap3A_23] {strides = array<i32>} : memref<512xf32, #tpu.memory_space<vmem>>, vector<16xf32>,
    %swap3A_25 = vector.shape_cast %swap3A_24 : vector<16xf32> to vector<16xf32>
    %swap3A_26 = vector.shape_cast %broadcast_in_dim3A_22 : vector<16xf32> to vector<16xf32>
    tpu.vector_store %arg18[%swap3A_23], %swap3A_26 {strides = array<i32>} : memref<512xf32, #tpu.memory_space<vmem>>, vector<16xf32>,
    %broadcast_in_dim3A_27 = arith.constant 1.000000e+00 : f32
    %broadcast_in_dim3A_28 = vector.broadcast %broadcast_in_dim3A_27 : f32 to vector<16xf32>
    %swap3A_29 = arith.constant 64 : index
    %swap3A_30 = tpu.vector_load %arg18[%swap3A_29] {strides = array<i32>} : memref<512xf32, #tpu.memory_space<vmem>>, vector<16xf32>,
    %swap3A_31 = vector.shape_cast %swap3A_30 : vector<16xf32> to vector<16xf32>
    %swap3A_32 = vector.shape_cast %broadcast_in_dim3A_28 : vector<16xf32> to vector<16xf32>
    tpu.vector_store %arg18[%swap3A_29], %swap3A_32 {strides = array<i32>} : memref<512xf32, #tpu.memory_space<vmem>>, vector<16xf32>,
    %broadcast_in_dim3A_33 = arith.constant 1.000000e+00 : f32
    %broadcast_in_dim3A_34 = vector.broadcast %broadcast_in_dim3A_33 : f32 to vector<16xf32>
    %swap3A_35 = arith.constant 80 : index
    %swap3A_36 = tpu.vector_load %arg18[%swap3A_35] {strides = array<i32>} : memref<512xf32, #tpu.memory_space<vmem>>, vector<16xf32>,
    %swap3A_37 = vector.shape_cast %swap3A_36 : vector<16xf32> to vector<16xf32>
    %swap3A_38 = vector.shape_cast %broadcast_in_dim3A_34 : vector<16xf32> to vector<16xf32>
    tpu.vector_store %arg18[%swap3A_35], %swap3A_38 {strides = array<i32>} : memref<512xf32, #tpu.memory_space<vmem>>, vector<16xf32>,
    %broadcast_in_dim3A_39 = arith.constant 1.000000e+00 : f32
    %broadcast_in_dim3A_40 = vector.broadcast %broadcast_in_dim3A_39 : f32 to vector<16xf32>
    %swap3A_41 = arith.constant 96 : index
    %swap3A_42 = tpu.vector_load %arg18[%swap3A_41] {strides = array<i32>} : memref<512xf32, #tpu.memory_space<vmem>>, vector<16xf32>,
    %swap3A_43 = vector.shape_cast %swap3A_42 : vector<16xf32> to vector<16xf32>
    %swap3A_44 = vector.shape_cast %broadcast_in_dim3A_40 : vector<16xf32> to vector<16xf32>
    tpu.vector_store %arg18[%swap3A_41], %swap3A_44 {strides = array<i32>} : memref<512xf32, #tpu.memory_space<vmem>>, vector<16xf32>,
    %broadcast_in_dim3A_45 = arith.constant 1.000000e+00 : f32
    %broadcast_in_dim3A_46 = vector.broadcast %broadcast_in_dim3A_45 : f32 to vector<16xf32>
    %swap3A_47 = arith.constant 112 : index
    %swap3A_48 = tpu.vector_load %arg18[%swap3A_47] {strides = array<i32>} : memref<512xf32, #tpu.memory_space<vmem>>, vector<16xf32>,
    %swap3A_49 = vector.shape_cast %swap3A_48 : vector<16xf32> to vector<16xf32>
    %swap3A_50 = vector.shape_cast %broadcast_in_dim3A_46 : vector<16xf32> to vector<16xf32>
    tpu.vector_store %arg18[%swap3A_47], %swap3A_50 {strides = array<i32>} : memref<512xf32, #tpu.memory_space<vmem>>, vector<16xf32>,
    %broadcast_in_dim3A_51 = arith.constant 1.000000e+00 : f32
    %broadcast_in_dim3A_52 = vector.broadcast %broadcast_in_dim3A_51 : f32 to vector<16xf32>
    %swap3A_53 = arith.constant 128 : index
    %swap3A_54 = tpu.vector_load %arg18[%swap3A_53] {strides = array<i32>} : memref<512xf32, #tpu.memory_space<vmem>>, vector<16xf32>,
    %swap3A_55 = vector.shape_cast %swap3A_54 : vector<16xf32> to vector<16xf32>
    %swap3A_56 = vector.shape_cast %broadcast_in_dim3A_52 : vector<16xf32> to vector<16xf32>
    tpu.vector_store %arg18[%swap3A_53], %swap3A_56 {strides = array<i32>} : memref<512xf32, #tpu.memory_space<vmem>>, vector<16xf32>,
    %broadcast_in_dim3A_57 = arith.constant 1.000000e+00 : f32
    %broadcast_in_dim3A_58 = vector.broadcast %broadcast_in_dim3A_57 : f32 to vector<16xf32>
    %swap3A_59 = arith.constant 144 : index
    %swap3A_60 = tpu.vector_load %arg18[%swap3A_59] {strides = array<i32>} : memref<512xf32, #tpu.memory_space<vmem>>, vector<16xf32>,
    %swap3A_61 = vector.shape_cast %swap3A_60 : vector<16xf32> to vector<16xf32>
    %swap3A_62 = vector.shape_cast %broadcast_in_dim3A_58 : vector<16xf32> to vector<16xf32>
    tpu.vector_store %arg18[%swap3A_59], %swap3A_62 {strides = array<i32>} : memref<512xf32, #tpu.memory_space<vmem>>, vector<16xf32>,
    %broadcast_in_dim3A_63 = arith.constant 1.000000e+00 : f32
    %broadcast_in_dim3A_64 = vector.broadcast %broadcast_in_dim3A_63 : f32 to vector<16xf32>
    %swap3A_65 = arith.constant 160 : index
    %swap3A_66 = tpu.vector_load %arg18[%swap3A_65] {strides = array<i32>} : memref<512xf32, #tpu.memory_space<vmem>>, vector<16xf32>,
    %swap3A_67 = vector.shape_cast %swap3A_66 : vector<16xf32> to vector<16xf32>
    %swap3A_68 = vector.shape_cast %broadcast_in_dim3A_64 : vector<16xf32> to vector<16xf32>
    tpu.vector_store %arg18[%swap3A_65], %swap3A_68 {strides = array<i32>} : memref<512xf32, #tpu.memory_space<vmem>>, vector<16xf32>,
    %broadcast_in_dim3A_69 = arith.constant 1.000000e+00 : f32
    %broadcast_in_dim3A_70 = vector.broadcast %broadcast_in_dim3A_69 : f32 to vector<16xf32>
    %swap3A_71 = arith.constant 176 : index
    %swap3A_72 = tpu.vector_load %arg18[%swap3A_71] {strides = array<i32>} : memref<512xf32, #tpu.memory_space<vmem>>, vector<16xf32>,
    %swap3A_73 = vector.shape_cast %swap3A_72 : vector<16xf32> to vector<16xf32>
    %swap3A_74 = vector.shape_cast %broadcast_in_dim3A_70 : vector<16xf32> to vector<16xf32>
    tpu.vector_store %arg18[%swap3A_71], %swap3A_74 {strides = array<i32>} : memref<512xf32, #tpu.memory_space<vmem>>, vector<16xf32>,
    %broadcast_in_dim3A_75 = arith.constant 1.000000e+00 : f32
    %broadcast_in_dim3A_76 = vector.broadcast %broadcast_in_dim3A_75 : f32 to vector<16xf32>
    %swap3A_77 = arith.constant 192 : index
    %swap3A_78 = tpu.vector_load %arg18[%swap3A_77] {strides = array<i32>} : memref<512xf32, #tpu.memory_space<vmem>>, vector<16xf32>,
    %swap3A_79 = vector.shape_cast %swap3A_78 : vector<16xf32> to vector<16xf32>
    %swap3A_80 = vector.shape_cast %broadcast_in_dim3A_76 : vector<16xf32> to vector<16xf32>
    tpu.vector_store %arg18[%swap3A_77], %swap3A_80 {strides = array<i32>} : memref<512xf32, #tpu.memory_space<vmem>>, vector<16xf32>,
    %broadcast_in_dim3A_81 = arith.constant 1.000000e+00 : f32
    %broadcast_in_dim3A_82 = vector.broadcast %broadcast_in_dim3A_81 : f32 to vector<16xf32>
    %swap3A_83 = arith.constant 208 : index
    %swap3A_84 = tpu.vector_load %arg18[%swap3A_83] {strides = array<i32>} : memref<512xf32, #tpu.memory_space<vmem>>, vector<16xf32>,
    %swap3A_85 = vector.shape_cast %swap3A_84 : vector<16xf32> to vector<16xf32>
    %swap3A_86 = vector.shape_cast %broadcast_in_dim3A_82 : vector<16xf32> to vector<16xf32>
    tpu.vector_store %arg18[%swap3A_83], %swap3A_86 {strides = array<i32>} : memref<512xf32, #tpu.memory_space<vmem>>, vector<16xf32>,
    %broadcast_in_dim3A_87 = arith.constant 1.000000e+00 : f32
    %broadcast_in_dim3A_88 = vector.broadcast %broadcast_in_dim3A_87 : f32 to vector<16xf32>
    %swap3A_89 = arith.constant 224 : index
    %swap3A_90 = tpu.vector_load %arg18[%swap3A_89] {strides = array<i32>} : memref<512xf32, #tpu.memory_space<vmem>>, vector<16xf32>,
    %swap3A_91 = vector.shape_cast %swap3A_90 : vector<16xf32> to vector<16xf32>
    %swap3A_92 = vector.shape_cast %broadcast_in_dim3A_88 : vector<16xf32> to vector<16xf32>
    tpu.vector_store %arg18[%swap3A_89], %swap3A_92 {strides = array<i32>} : memref<512xf32, #tpu.memory_space<vmem>>, vector<16xf32>,
    %broadcast_in_dim3A_93 = arith.constant 1.000000e+00 : f32
    %broadcast_in_dim3A_94 = vector.broadcast %broadcast_in_dim3A_93 : f32 to vector<16xf32>
    %swap3A_95 = arith.constant 240 : index
    %swap3A_96 = tpu.vector_load %arg18[%swap3A_95] {strides = array<i32>} : memref<512xf32, #tpu.memory_space<vmem>>, vector<16xf32>,
    %swap3A_97 = vector.shape_cast %swap3A_96 : vector<16xf32> to vector<16xf32>
    %swap3A_98 = vector.shape_cast %broadcast_in_dim3A_94 : vector<16xf32> to vector<16xf32>
    tpu.vector_store %arg18[%swap3A_95], %swap3A_98 {strides = array<i32>} : memref<512xf32, #tpu.memory_space<vmem>>, vector<16xf32>,
    %broadcast_in_dim3A_99 = arith.constant 1.000000e+00 : f32
    %broadcast_in_dim3A_100 = vector.broadcast %broadcast_in_dim3A_99 : f32 to vector<16xf32>
    %swap3A_101 = arith.constant 256 : index
    %swap3A_102 = tpu.vector_load %arg18[%swap3A_101] {strides = array<i32>} : memref<512xf32, #tpu.memory_space<vmem>>, vector<16xf32>,
    %swap3A_103 = vector.shape_cast %swap3A_102 : vector<16xf32> to vector<16xf32>
    %swap3A_104 = vector.shape_cast %broadcast_in_dim3A_100 : vector<16xf32> to vector<16xf32>
    tpu.vector_store %arg18[%swap3A_101], %swap3A_104 {strides = array<i32>} : memref<512xf32, #tpu.memory_space<vmem>>, vector<16xf32>,
    %broadcast_in_dim3A_105 = arith.constant 1.000000e+00 : f32
    %broadcast_in_dim3A_106 = vector.broadcast %broadcast_in_dim3A_105 : f32 to vector<16xf32>
    %swap3A_107 = arith.constant 272 : index
    %swap3A_108 = tpu.vector_load %arg18[%swap3A_107] {strides = array<i32>} : memref<512xf32, #tpu.memory_space<vmem>>, vector<16xf32>,
    %swap3A_109 = vector.shape_cast %swap3A_108 : vector<16xf32> to vector<16xf32>
    %swap3A_110 = vector.shape_cast %broadcast_in_dim3A_106 : vector<16xf32> to vector<16xf32>
    tpu.vector_store %arg18[%swap3A_107], %swap3A_110 {strides = array<i32>} : memref<512xf32, #tpu.memory_space<vmem>>, vector<16xf32>,
    %broadcast_in_dim3A_111 = arith.constant 1.000000e+00 : f32
    %broadcast_in_dim3A_112 = vector.broadcast %broadcast_in_dim3A_111 : f32 to vector<16xf32>
    %swap3A_113 = arith.constant 288 : index
    %swap3A_114 = tpu.vector_load %arg18[%swap3A_113] {strides = array<i32>} : memref<512xf32, #tpu.memory_space<vmem>>, vector<16xf32>,
    %swap3A_115 = vector.shape_cast %swap3A_114 : vector<16xf32> to vector<16xf32>
    %swap3A_116 = vector.shape_cast %broadcast_in_dim3A_112 : vector<16xf32> to vector<16xf32>
    tpu.vector_store %arg18[%swap3A_113], %swap3A_116 {strides = array<i32>} : memref<512xf32, #tpu.memory_space<vmem>>, vector<16xf32>,
    %broadcast_in_dim3A_117 = arith.constant 1.000000e+00 : f32
    %broadcast_in_dim3A_118 = vector.broadcast %broadcast_in_dim3A_117 : f32 to vector<16xf32>
    %swap3A_119 = arith.constant 304 : index
    %swap3A_120 = tpu.vector_load %arg18[%swap3A_119] {strides = array<i32>} : memref<512xf32, #tpu.memory_space<vmem>>, vector<16xf32>,
    %swap3A_121 = vector.shape_cast %swap3A_120 : vector<16xf32> to vector<16xf32>
    %swap3A_122 = vector.shape_cast %broadcast_in_dim3A_118 : vector<16xf32> to vector<16xf32>
    tpu.vector_store %arg18[%swap3A_119], %swap3A_122 {strides = array<i32>} : memref<512xf32, #tpu.memory_space<vmem>>, vector<16xf32>,
    %broadcast_in_dim3A_123 = arith.constant 1.000000e+00 : f32
    %broadcast_in_dim3A_124 = vector.broadcast %broadcast_in_dim3A_123 : f32 to vector<16xf32>
    %swap3A_125 = arith.constant 320 : index
    %swap3A_126 = tpu.vector_load %arg18[%swap3A_125] {strides = array<i32>} : memref<512xf32, #tpu.memory_space<vmem>>, vector<16xf32>,
    %swap3A_127 = vector.shape_cast %swap3A_126 : vector<16xf32> to vector<16xf32>
    %swap3A_128 = vector.shape_cast %broadcast_in_dim3A_124 : vector<16xf32> to vector<16xf32>
    tpu.vector_store %arg18[%swap3A_125], %swap3A_128 {strides = array<i32>} : memref<512xf32, #tpu.memory_space<vmem>>, vector<16xf32>,
    %broadcast_in_dim3A_129 = arith.constant 1.000000e+00 : f32
    %broadcast_in_dim3A_130 = vector.broadcast %broadcast_in_dim3A_129 : f32 to vector<16xf32>
    %swap3A_131 = arith.constant 336 : index
    %swap3A_132 = tpu.vector_load %arg18[%swap3A_131] {strides = array<i32>} : memref<512xf32, #tpu.memory_space<vmem>>, vector<16xf32>,
    %swap3A_133 = vector.shape_cast %swap3A_132 : vector<16xf32> to vector<16xf32>
    %swap3A_134 = vector.shape_cast %broadcast_in_dim3A_130 : vector<16xf32> to vector<16xf32>
    tpu.vector_store %arg18[%swap3A_131], %swap3A_134 {strides = array<i32>} : memref<512xf32, #tpu.memory_space<vmem>>, vector<16xf32>,
    %broadcast_in_dim3A_135 = arith.constant 1.000000e+00 : f32
    %broadcast_in_dim3A_136 = vector.broadcast %broadcast_in_dim3A_135 : f32 to vector<16xf32>
    %swap3A_137 = arith.constant 352 : index
    %swap3A_138 = tpu.vector_load %arg18[%swap3A_137] {strides = array<i32>} : memref<512xf32, #tpu.memory_space<vmem>>, vector<16xf32>,
    %swap3A_139 = vector.shape_cast %swap3A_138 : vector<16xf32> to vector<16xf32>
    %swap3A_140 = vector.shape_cast %broadcast_in_dim3A_136 : vector<16xf32> to vector<16xf32>
    tpu.vector_store %arg18[%swap3A_137], %swap3A_140 {strides = array<i32>} : memref<512xf32, #tpu.memory_space<vmem>>, vector<16xf32>,
    %broadcast_in_dim3A_141 = arith.constant 1.000000e+00 : f32
    %broadcast_in_dim3A_142 = vector.broadcast %broadcast_in_dim3A_141 : f32 to vector<16xf32>
    %swap3A_143 = arith.constant 368 : index
    %swap3A_144 = tpu.vector_load %arg18[%swap3A_143] {strides = array<i32>} : memref<512xf32, #tpu.memory_space<vmem>>, vector<16xf32>,
    %swap3A_145 = vector.shape_cast %swap3A_144 : vector<16xf32> to vector<16xf32>
    %swap3A_146 = vector.shape_cast %broadcast_in_dim3A_142 : vector<16xf32> to vector<16xf32>
    tpu.vector_store %arg18[%swap3A_143], %swap3A_146 {strides = array<i32>} : memref<512xf32, #tpu.memory_space<vmem>>, vector<16xf32>,
    %broadcast_in_dim3A_147 = arith.constant 1.000000e+00 : f32
    %broadcast_in_dim3A_148 = vector.broadcast %broadcast_in_dim3A_147 : f32 to vector<16xf32>
    %swap3A_149 = arith.constant 384 : index
    %swap3A_150 = tpu.vector_load %arg18[%swap3A_149] {strides = array<i32>} : memref<512xf32, #tpu.memory_space<vmem>>, vector<16xf32>,
    %swap3A_151 = vector.shape_cast %swap3A_150 : vector<16xf32> to vector<16xf32>
    %swap3A_152 = vector.shape_cast %broadcast_in_dim3A_148 : vector<16xf32> to vector<16xf32>
    tpu.vector_store %arg18[%swap3A_149], %swap3A_152 {strides = array<i32>} : memref<512xf32, #tpu.memory_space<vmem>>, vector<16xf32>,
    %broadcast_in_dim3A_153 = arith.constant 1.000000e+00 : f32
    %broadcast_in_dim3A_154 = vector.broadcast %broadcast_in_dim3A_153 : f32 to vector<16xf32>
    %swap3A_155 = arith.constant 400 : index
    %swap3A_156 = tpu.vector_load %arg18[%swap3A_155] {strides = array<i32>} : memref<512xf32, #tpu.memory_space<vmem>>, vector<16xf32>,
    %swap3A_157 = vector.shape_cast %swap3A_156 : vector<16xf32> to vector<16xf32>
    %swap3A_158 = vector.shape_cast %broadcast_in_dim3A_154 : vector<16xf32> to vector<16xf32>
    tpu.vector_store %arg18[%swap3A_155], %swap3A_158 {strides = array<i32>} : memref<512xf32, #tpu.memory_space<vmem>>, vector<16xf32>,
    %broadcast_in_dim3A_159 = arith.constant 1.000000e+00 : f32
    %broadcast_in_dim3A_160 = vector.broadcast %broadcast_in_dim3A_159 : f32 to vector<16xf32>
    %swap3A_161 = arith.constant 416 : index
    %swap3A_162 = tpu.vector_load %arg18[%swap3A_161] {strides = array<i32>} : memref<512xf32, #tpu.memory_space<vmem>>, vector<16xf32>,
    %swap3A_163 = vector.shape_cast %swap3A_162 : vector<16xf32> to vector<16xf32>
    %swap3A_164 = vector.shape_cast %broadcast_in_dim3A_160 : vector<16xf32> to vector<16xf32>
    tpu.vector_store %arg18[%swap3A_161], %swap3A_164 {strides = array<i32>} : memref<512xf32, #tpu.memory_space<vmem>>, vector<16xf32>,
    %broadcast_in_dim3A_165 = arith.constant 1.000000e+00 : f32
    %broadcast_in_dim3A_166 = vector.broadcast %broadcast_in_dim3A_165 : f32 to vector<16xf32>
    %swap3A_167 = arith.constant 432 : index
    %swap3A_168 = tpu.vector_load %arg18[%swap3A_167] {strides = array<i32>} : memref<512xf32, #tpu.memory_space<vmem>>, vector<16xf32>,
    %swap3A_169 = vector.shape_cast %swap3A_168 : vector<16xf32> to vector<16xf32>
    %swap3A_170 = vector.shape_cast %broadcast_in_dim3A_166 : vector<16xf32> to vector<16xf32>
    tpu.vector_store %arg18[%swap3A_167], %swap3A_170 {strides = array<i32>} : memref<512xf32, #tpu.memory_space<vmem>>, vector<16xf32>,
    %broadcast_in_dim3A_171 = arith.constant 1.000000e+00 : f32
    %broadcast_in_dim3A_172 = vector.broadcast %broadcast_in_dim3A_171 : f32 to vector<16xf32>
    %swap3A_173 = arith.constant 448 : index
    %swap3A_174 = tpu.vector_load %arg18[%swap3A_173] {strides = array<i32>} : memref<512xf32, #tpu.memory_space<vmem>>, vector<16xf32>,
    %swap3A_175 = vector.shape_cast %swap3A_174 : vector<16xf32> to vector<16xf32>
    %swap3A_176 = vector.shape_cast %broadcast_in_dim3A_172 : vector<16xf32> to vector<16xf32>
    tpu.vector_store %arg18[%swap3A_173], %swap3A_176 {strides = array<i32>} : memref<512xf32, #tpu.memory_space<vmem>>, vector<16xf32>,
    %broadcast_in_dim3A_177 = arith.constant 1.000000e+00 : f32
    %broadcast_in_dim3A_178 = vector.broadcast %broadcast_in_dim3A_177 : f32 to vector<16xf32>
    %swap3A_179 = arith.constant 464 : index
    %swap3A_180 = tpu.vector_load %arg18[%swap3A_179] {strides = array<i32>} : memref<512xf32, #tpu.memory_space<vmem>>, vector<16xf32>,
    %swap3A_181 = vector.shape_cast %swap3A_180 : vector<16xf32> to vector<16xf32>
    %swap3A_182 = vector.shape_cast %broadcast_in_dim3A_178 : vector<16xf32> to vector<16xf32>
    tpu.vector_store %arg18[%swap3A_179], %swap3A_182 {strides = array<i32>} : memref<512xf32, #tpu.memory_space<vmem>>, vector<16xf32>,
    %broadcast_in_dim3A_183 = arith.constant 1.000000e+00 : f32
    %broadcast_in_dim3A_184 = vector.broadcast %broadcast_in_dim3A_183 : f32 to vector<16xf32>
    %swap3A_185 = arith.constant 480 : index
    %swap3A_186 = tpu.vector_load %arg18[%swap3A_185] {strides = array<i32>} : memref<512xf32, #tpu.memory_space<vmem>>, vector<16xf32>,
    %swap3A_187 = vector.shape_cast %swap3A_186 : vector<16xf32> to vector<16xf32>
    %swap3A_188 = vector.shape_cast %broadcast_in_dim3A_184 : vector<16xf32> to vector<16xf32>
    tpu.vector_store %arg18[%swap3A_185], %swap3A_188 {strides = array<i32>} : memref<512xf32, #tpu.memory_space<vmem>>, vector<16xf32>,
    %broadcast_in_dim3A_189 = arith.constant 1.000000e+00 : f32
    %broadcast_in_dim3A_190 = vector.broadcast %broadcast_in_dim3A_189 : f32 to vector<16xf32>
    %swap3A_191 = arith.constant 496 : index
    %swap3A_192 = tpu.vector_load %arg18[%swap3A_191] {strides = array<i32>} : memref<512xf32, #tpu.memory_space<vmem>>, vector<16xf32>,
    %swap3A_193 = vector.shape_cast %swap3A_192 : vector<16xf32> to vector<16xf32>
    %swap3A_194 = vector.shape_cast %broadcast_in_dim3A_190 : vector<16xf32> to vector<16xf32>
    tpu.vector_store %arg18[%swap3A_191], %swap3A_194 {strides = array<i32>} : memref<512xf32, #tpu.memory_space<vmem>>, vector<16xf32>,
    %barrier3A = arith.constant 0 : index
    tpu.barrier barrier_id(%barrier3A)
    %add3A_195 = arith.constant 0 : i32
    %add3A_196 = arith.addi %mul3A_4, %add3A_195 : i32
    %run_scoped3A = arith.constant 0 : i32
    "tpu.region"() ({
      %run_scoped3A_217 = tpu.sem_alloc : memref<!tpu.dma_semaphore, #tpu.memory_space<semaphore_mem>>
      %dma_start3A_218 = arith.constant 0 : i32
      %dma_start3A_219 = tpu.memref_slice %arg10[%run_scoped3A, %dma_start3A_218] : memref<2x512xi32, #tpu.memory_space<vmem>> -> memref<1x512xi32, #tpu.memory_space<vmem>>
      %dma_start3A_220 = tpu.memref_squeeze %dma_start3A_219 : memref<1x512xi32, #tpu.memory_space<vmem>> -> memref<512xi32, #tpu.memory_space<vmem>>
      %dma_start3A_221 = tpu.memref_slice %arg3[%add3A_196] : memref<3211264xi32, #tpu.memory_space<hbm>> -> memref<512xi32, #tpu.memory_space<hbm>>
      %dma_start3A_222 = arith.constant 0 : i32
      %dma_start3A_223 = tpu.memref_slice %arg10[%run_scoped3A, %dma_start3A_222] : memref<2x512xi32, #tpu.memory_space<vmem>> -> memref<1x512xi32, #tpu.memory_space<vmem>>
      %dma_start3A_224 = tpu.memref_squeeze %dma_start3A_223 : memref<1x512xi32, #tpu.memory_space<vmem>> -> memref<512xi32, #tpu.memory_space<vmem>>
      %dma_start3A_225 = tpu.memref_slice %arg3[%add3A_196] : memref<3211264xi32, #tpu.memory_space<hbm>> -> memref<512xi32, #tpu.memory_space<hbm>>
      tpu.enqueue_dma source(%dma_start3A_225 : memref<512xi32, #tpu.memory_space<hbm>>) target(%dma_start3A_224 : memref<512xi32, #tpu.memory_space<vmem>>) target_semaphore(%run_scoped3A_217 : memref<!tpu.dma_semaphore, #tpu.memory_space<semaphore_mem>>)
      %dma_wait3A = arith.constant 0 : i32
      %dma_wait3A_226 = tpu.memref_slice %arg10[%run_scoped3A, %dma_wait3A] : memref<2x512xi32, #tpu.memory_space<vmem>> -> memref<1x512xi32, #tpu.memory_space<vmem>>
      %dma_wait3A_227 = tpu.memref_squeeze %dma_wait3A_226 : memref<1x512xi32, #tpu.memory_space<vmem>> -> memref<512xi32, #tpu.memory_space<vmem>>
      %dma_wait3A_228 = tpu.memref_slice %arg3[%add3A_196] : memref<3211264xi32, #tpu.memory_space<hbm>> -> memref<512xi32, #tpu.memory_space<hbm>>
      %dma_wait3A_229 = arith.constant 0 : i32
      %dma_wait3A_230 = tpu.memref_slice %arg10[%run_scoped3A, %dma_wait3A_229] : memref<2x512xi32, #tpu.memory_space<vmem>> -> memref<1x512xi32, #tpu.memory_space<vmem>>
      %dma_wait3A_231 = tpu.memref_squeeze %dma_wait3A_230 : memref<1x512xi32, #tpu.memory_space<vmem>> -> memref<512xi32, #tpu.memory_space<vmem>>
      %dma_wait3A_232 = tpu.memref_slice %arg3[%add3A_196] : memref<3211264xi32, #tpu.memory_space<hbm>> -> memref<512xi32, #tpu.memory_space<hbm>>
      tpu.wait_dma2 semaphore(%run_scoped3A_217 : memref<!tpu.dma_semaphore, #tpu.memory_space<semaphore_mem>>) src(%dma_wait3A_232 : memref<512xi32, #tpu.memory_space<hbm>>) dst(%dma_wait3A_231 : memref<512xi32, #tpu.memory_space<vmem>>)
      tpu.yield
    }) : () -> ()
    %add3A_197 = arith.constant 0 : i32
    %add3A_198 = arith.addi %mul3A_4, %add3A_197 : i32
    %run_scoped3A_199 = arith.constant 0 : i32
    "tpu.region"() ({
      %run_scoped3A_217 = tpu.sem_alloc : memref<!tpu.dma_semaphore, #tpu.memory_space<semaphore_mem>>
      %dma_start3A_218 = arith.constant 0 : i32
      %dma_start3A_219 = tpu.memref_slice %arg11[%run_scoped3A_199, %dma_start3A_218] : memref<2x512xi32, #tpu.memory_space<vmem>> -> memref<1x512xi32, #tpu.memory_space<vmem>>
      %dma_start3A_220 = tpu.memref_squeeze %dma_start3A_219 : memref<1x512xi32, #tpu.memory_space<vmem>> -> memref<512xi32, #tpu.memory_space<vmem>>
      %dma_start3A_221 = tpu.memref_slice %arg4[%add3A_198] : memref<3211264xi32, #tpu.memory_space<hbm>> -> memref<512xi32, #tpu.memory_space<hbm>>
      %dma_start3A_222 = arith.constant 0 : i32
      %dma_start3A_223 = tpu.memref_slice %arg11[%run_scoped3A_199, %dma_start3A_222] : memref<2x512xi32, #tpu.memory_space<vmem>> -> memref<1x512xi32, #tpu.memory_space<vmem>>
      %dma_start3A_224 = tpu.memref_squeeze %dma_start3A_223 : memref<1x512xi32, #tpu.memory_space<vmem>> -> memref<512xi32, #tpu.memory_space<vmem>>
      %dma_start3A_225 = tpu.memref_slice %arg4[%add3A_198] : memref<3211264xi32, #tpu.memory_space<hbm>> -> memref<512xi32, #tpu.memory_space<hbm>>
      tpu.enqueue_dma source(%dma_start3A_225 : memref<512xi32, #tpu.memory_space<hbm>>) target(%dma_start3A_224 : memref<512xi32, #tpu.memory_space<vmem>>) target_semaphore(%run_scoped3A_217 : memref<!tpu.dma_semaphore, #tpu.memory_space<semaphore_mem>>)
      %dma_wait3A = arith.constant 0 : i32
      %dma_wait3A_226 = tpu.memref_slice %arg11[%run_scoped3A_199, %dma_wait3A] : memref<2x512xi32, #tpu.memory_space<vmem>> -> memref<1x512xi32, #tpu.memory_space<vmem>>
      %dma_wait3A_227 = tpu.memref_squeeze %dma_wait3A_226 : memref<1x512xi32, #tpu.memory_space<vmem>> -> memref<512xi32, #tpu.memory_space<vmem>>
      %dma_wait3A_228 = tpu.memref_slice %arg4[%add3A_198] : memref<3211264xi32, #tpu.memory_space<hbm>> -> memref<512xi32, #tpu.memory_space<hbm>>
      %dma_wait3A_229 = arith.constant 0 : i32
      %dma_wait3A_230 = tpu.memref_slice %arg11[%run_scoped3A_199, %dma_wait3A_229] : memref<2x512xi32, #tpu.memory_space<vmem>> -> memref<1x512xi32, #tpu.memory_space<vmem>>
      %dma_wait3A_231 = tpu.memref_squeeze %dma_wait3A_230 : memref<1x512xi32, #tpu.memory_space<vmem>> -> memref<512xi32, #tpu.memory_space<vmem>>
      %dma_wait3A_232 = tpu.memref_slice %arg4[%add3A_198] : memref<3211264xi32, #tpu.memory_space<hbm>> -> memref<512xi32, #tpu.memory_space<hbm>>
      tpu.wait_dma2 semaphore(%run_scoped3A_217 : memref<!tpu.dma_semaphore, #tpu.memory_space<semaphore_mem>>) src(%dma_wait3A_232 : memref<512xi32, #tpu.memory_space<hbm>>) dst(%dma_wait3A_231 : memref<512xi32, #tpu.memory_space<vmem>>)
      tpu.yield
    }) : () -> ()
    %dma_start3A = arith.constant 0 : i32
    %dma_start3A_200 = arith.constant 0 : i32
    %dma_start3A_201 = arith.constant 0 : i32
    %dma_start3A_202 = arith.constant 0 : i32
    %dma_start3A_203 = tpu.memref_slice %arg12[%dma_start3A_200, %dma_start3A_201, %dma_start3A_202] : memref<2x512x16xf32, #tpu.memory_space<vmem>> -> memref<1x512x16xf32, #tpu.memory_space<vmem>>
    %dma_start3A_204 = tpu.memref_squeeze %dma_start3A_203 : memref<1x512x16xf32, #tpu.memory_space<vmem>> -> memref<512x16xf32, #tpu.memory_space<vmem>>
    %dma_start3A_205 = arith.constant 0 : i32
    %dma_start3A_206 = tpu.memref_slice %arg10[%dma_start3A, %dma_start3A_205] : memref<2x512xi32, #tpu.memory_space<vmem>> -> memref<1x512xi32, #tpu.memory_space<vmem>>
    %dma_start3A_207 = tpu.memref_squeeze %dma_start3A_206 : memref<1x512xi32, #tpu.memory_space<vmem>> -> memref<512xi32, #tpu.memory_space<vmem>>
    %dma_start3A_208 = arith.constant 0 : i32
    %dma_start3A_209 = arith.constant 0 : i32
    %dma_start3A_210 = tpu.memref_slice %arg2[%dma_start3A_208, %dma_start3A_209] : memref<100352x16xf32, #tpu.memory_space<hbm>> -> memref<100352x16xf32, #tpu.memory_space<hbm>>
    tpu.enqueue_indirect_dma source(%dma_start3A_210 : memref<100352x16xf32, #tpu.memory_space<hbm>>) target(%dma_start3A_204 : memref<512x16xf32, #tpu.memory_space<vmem>>) offsets(%dma_start3A_207 : memref<512xi32, #tpu.memory_space<vmem>>) semaphore(%arg13 : memref<!tpu.dma_semaphore, #tpu.memory_space<semaphore_mem>>)
    %scan3A = arith.constant 0 : i32
    %scan3A_211 = arith.constant 0 : i32
    %scan3A_212 = arith.constant 98 : i32
    %scan3A_213 = arith.addi %scan3A_211, %scan3A_212 : i32
    %scan3A_214 = arith.constant 1 : i32
    scf.for %scan3A_217 = %scan3A_211 to %scan3A_213 step %scan3A_214  : i32 {
      %mul3A_218 = arith.constant 2 : i32
      %mul3A_219 = arith.muli %mul3A_218, %scan3A_217 : i32
      %add3A_220 = arith.constant 1 : i32
      %add3A_221 = arith.addi %mul3A_219, %add3A_220 : i32
      %mul3A_222 = arith.constant 512 : i32
      %mul3A_223 = arith.muli %add3A_221, %mul3A_222 : i32
      %add3A_224 = arith.addi %mul3A_4, %mul3A_223 : i32
      %run_scoped3A_225 = arith.constant 1 : i32
      "tpu.region"() ({
        %run_scoped3A_339 = tpu.sem_alloc : memref<!tpu.dma_semaphore, #tpu.memory_space<semaphore_mem>>
        %dma_start3A_340 = arith.constant 0 : i32
        %dma_start3A_341 = tpu.memref_slice %arg10[%run_scoped3A_225, %dma_start3A_340] : memref<2x512xi32, #tpu.memory_space<vmem>> -> memref<1x512xi32, #tpu.memory_space<vmem>>
        %dma_start3A_342 = tpu.memref_squeeze %dma_start3A_341 : memref<1x512xi32, #tpu.memory_space<vmem>> -> memref<512xi32, #tpu.memory_space<vmem>>
        %dma_start3A_343 = tpu.memref_slice %arg3[%add3A_224] : memref<3211264xi32, #tpu.memory_space<hbm>> -> memref<512xi32, #tpu.memory_space<hbm>>
        %dma_start3A_344 = arith.constant 0 : i32
        %dma_start3A_345 = tpu.memref_slice %arg10[%run_scoped3A_225, %dma_start3A_344] : memref<2x512xi32, #tpu.memory_space<vmem>> -> memref<1x512xi32, #tpu.memory_space<vmem>>
        %dma_start3A_346 = tpu.memref_squeeze %dma_start3A_345 : memref<1x512xi32, #tpu.memory_space<vmem>> -> memref<512xi32, #tpu.memory_space<vmem>>
        %dma_start3A_347 = tpu.memref_slice %arg3[%add3A_224] : memref<3211264xi32, #tpu.memory_space<hbm>> -> memref<512xi32, #tpu.memory_space<hbm>>
        tpu.enqueue_dma source(%dma_start3A_347 : memref<512xi32, #tpu.memory_space<hbm>>) target(%dma_start3A_346 : memref<512xi32, #tpu.memory_space<vmem>>) target_semaphore(%run_scoped3A_339 : memref<!tpu.dma_semaphore, #tpu.memory_space<semaphore_mem>>)
        %dma_wait3A_348 = arith.constant 0 : i32
        %dma_wait3A_349 = tpu.memref_slice %arg10[%run_scoped3A_225, %dma_wait3A_348] : memref<2x512xi32, #tpu.memory_space<vmem>> -> memref<1x512xi32, #tpu.memory_space<vmem>>
        %dma_wait3A_350 = tpu.memref_squeeze %dma_wait3A_349 : memref<1x512xi32, #tpu.memory_space<vmem>> -> memref<512xi32, #tpu.memory_space<vmem>>
        %dma_wait3A_351 = tpu.memref_slice %arg3[%add3A_224] : memref<3211264xi32, #tpu.memory_space<hbm>> -> memref<512xi32, #tpu.memory_space<hbm>>
        %dma_wait3A_352 = arith.constant 0 : i32
        %dma_wait3A_353 = tpu.memref_slice %arg10[%run_scoped3A_225, %dma_wait3A_352] : memref<2x512xi32, #tpu.memory_space<vmem>> -> memref<1x512xi32, #tpu.memory_space<vmem>>
        %dma_wait3A_354 = tpu.memref_squeeze %dma_wait3A_353 : memref<1x512xi32, #tpu.memory_space<vmem>> -> memref<512xi32, #tpu.memory_space<vmem>>
        %dma_wait3A_355 = tpu.memref_slice %arg3[%add3A_224] : memref<3211264xi32, #tpu.memory_space<hbm>> -> memref<512xi32, #tpu.memory_space<hbm>>
        tpu.wait_dma2 semaphore(%run_scoped3A_339 : memref<!tpu.dma_semaphore, #tpu.memory_space<semaphore_mem>>) src(%dma_wait3A_355 : memref<512xi32, #tpu.memory_space<hbm>>) dst(%dma_wait3A_354 : memref<512xi32, #tpu.memory_space<vmem>>)
        tpu.yield
      }) : () -> ()
      %mul3A_226 = arith.constant 512 : i32
      %mul3A_227 = arith.muli %add3A_221, %mul3A_226 : i32
      %add3A_228 = arith.addi %mul3A_4, %mul3A_227 : i32
      %run_scoped3A_229 = arith.constant 1 : i32
      "tpu.region"() ({
        %run_scoped3A_339 = tpu.sem_alloc : memref<!tpu.dma_semaphore, #tpu.memory_space<semaphore_mem>>
        %dma_start3A_340 = arith.constant 0 : i32
        %dma_start3A_341 = tpu.memref_slice %arg11[%run_scoped3A_229, %dma_start3A_340] : memref<2x512xi32, #tpu.memory_space<vmem>> -> memref<1x512xi32, #tpu.memory_space<vmem>>
        %dma_start3A_342 = tpu.memref_squeeze %dma_start3A_341 : memref<1x512xi32, #tpu.memory_space<vmem>> -> memref<512xi32, #tpu.memory_space<vmem>>
        %dma_start3A_343 = tpu.memref_slice %arg4[%add3A_228] : memref<3211264xi32, #tpu.memory_space<hbm>> -> memref<512xi32, #tpu.memory_space<hbm>>
        %dma_start3A_344 = arith.constant 0 : i32
        %dma_start3A_345 = tpu.memref_slice %arg11[%run_scoped3A_229, %dma_start3A_344] : memref<2x512xi32, #tpu.memory_space<vmem>> -> memref<1x512xi32, #tpu.memory_space<vmem>>
        %dma_start3A_346 = tpu.memref_squeeze %dma_start3A_345 : memref<1x512xi32, #tpu.memory_space<vmem>> -> memref<512xi32, #tpu.memory_space<vmem>>
        %dma_start3A_347 = tpu.memref_slice %arg4[%add3A_228] : memref<3211264xi32, #tpu.memory_space<hbm>> -> memref<512xi32, #tpu.memory_space<hbm>>
        tpu.enqueue_dma source(%dma_start3A_347 : memref<512xi32, #tpu.memory_space<hbm>>) target(%dma_start3A_346 : memref<512xi32, #tpu.memory_space<vmem>>) target_semaphore(%run_scoped3A_339 : memref<!tpu.dma_semaphore, #tpu.memory_space<semaphore_mem>>)
        %dma_wait3A_348 = arith.constant 0 : i32
        %dma_wait3A_349 = tpu.memref_slice %arg11[%run_scoped3A_229, %dma_wait3A_348] : memref<2x512xi32, #tpu.memory_space<vmem>> -> memref<1x512xi32, #tpu.memory_space<vmem>>
        %dma_wait3A_350 = tpu.memref_squeeze %dma_wait3A_349 : memref<1x512xi32, #tpu.memory_space<vmem>> -> memref<512xi32, #tpu.memory_space<vmem>>
        %dma_wait3A_351 = tpu.memref_slice %arg4[%add3A_228] : memref<3211264xi32, #tpu.memory_space<hbm>> -> memref<512xi32, #tpu.memory_space<hbm>>
        %dma_wait3A_352 = arith.constant 0 : i32
        %dma_wait3A_353 = tpu.memref_slice %arg11[%run_scoped3A_229, %dma_wait3A_352] : memref<2x512xi32, #tpu.memory_space<vmem>> -> memref<1x512xi32, #tpu.memory_space<vmem>>
        %dma_wait3A_354 = tpu.memref_squeeze %dma_wait3A_353 : memref<1x512xi32, #tpu.memory_space<vmem>> -> memref<512xi32, #tpu.memory_space<vmem>>
        %dma_wait3A_355 = tpu.memref_slice %arg4[%add3A_228] : memref<3211264xi32, #tpu.memory_space<hbm>> -> memref<512xi32, #tpu.memory_space<hbm>>
        tpu.wait_dma2 semaphore(%run_scoped3A_339 : memref<!tpu.dma_semaphore, #tpu.memory_space<semaphore_mem>>) src(%dma_wait3A_355 : memref<512xi32, #tpu.memory_space<hbm>>) dst(%dma_wait3A_354 : memref<512xi32, #tpu.memory_space<vmem>>)
        tpu.yield
      }) : () -> ()
      %dma_start3A_230 = arith.constant 1 : i32
      %dma_start3A_231 = arith.constant 1 : i32
      %dma_start3A_232 = arith.constant 0 : i32
      %dma_start3A_233 = arith.constant 0 : i32
      %dma_start3A_234 = tpu.memref_slice %arg12[%dma_start3A_231, %dma_start3A_232, %dma_start3A_233] : memref<2x512x16xf32, #tpu.memory_space<vmem>> -> memref<1x512x16xf32, #tpu.memory_space<vmem>>
      %dma_start3A_235 = tpu.memref_squeeze %dma_start3A_234 : memref<1x512x16xf32, #tpu.memory_space<vmem>> -> memref<512x16xf32, #tpu.memory_space<vmem>>
      %dma_start3A_236 = arith.constant 0 : i32
      %dma_start3A_237 = tpu.memref_slice %arg10[%dma_start3A_230, %dma_start3A_236] : memref<2x512xi32, #tpu.memory_space<vmem>> -> memref<1x512xi32, #tpu.memory_space<vmem>>
      %dma_start3A_238 = tpu.memref_squeeze %dma_start3A_237 : memref<1x512xi32, #tpu.memory_space<vmem>> -> memref<512xi32, #tpu.memory_space<vmem>>
      %dma_start3A_239 = arith.constant 0 : i32
      %dma_start3A_240 = arith.constant 0 : i32
      %dma_start3A_241 = tpu.memref_slice %arg2[%dma_start3A_239, %dma_start3A_240] : memref<100352x16xf32, #tpu.memory_space<hbm>> -> memref<100352x16xf32, #tpu.memory_space<hbm>>
      tpu.enqueue_indirect_dma source(%dma_start3A_241 : memref<100352x16xf32, #tpu.memory_space<hbm>>) target(%dma_start3A_235 : memref<512x16xf32, #tpu.memory_space<vmem>>) offsets(%dma_start3A_238 : memref<512xi32, #tpu.memory_space<vmem>>) semaphore(%arg14 : memref<!tpu.dma_semaphore, #tpu.memory_space<semaphore_mem>>)
      %dma_wait3A = arith.constant 0 : i32
      %dma_wait3A_242 = arith.constant 0 : i32
      %dma_wait3A_243 = arith.constant 0 : i32
      %dma_wait3A_244 = arith.constant 0 : i32
      %dma_wait3A_245 = tpu.memref_slice %arg12[%dma_wait3A_242, %dma_wait3A_243, %dma_wait3A_244] : memref<2x512x16xf32, #tpu.memory_space<vmem>> -> memref<1x512x16xf32, #tpu.memory_space<vmem>>
      %dma_wait3A_246 = tpu.memref_squeeze %dma_wait3A_245 : memref<1x512x16xf32, #tpu.memory_space<vmem>> -> memref<512x16xf32, #tpu.memory_space<vmem>>
      %dma_wait3A_247 = arith.constant 0 : i32
      %dma_wait3A_248 = tpu.memref_slice %arg10[%dma_wait3A, %dma_wait3A_247] : memref<2x512xi32, #tpu.memory_space<vmem>> -> memref<1x512xi32, #tpu.memory_space<vmem>>
      %dma_wait3A_249 = tpu.memref_squeeze %dma_wait3A_248 : memref<1x512xi32, #tpu.memory_space<vmem>> -> memref<512xi32, #tpu.memory_space<vmem>>
      %dma_wait3A_250 = arith.constant 0 : i32
      %dma_wait3A_251 = arith.constant 0 : i32
      %dma_wait3A_252 = tpu.memref_slice %arg2[%dma_wait3A_250, %dma_wait3A_251] : memref<100352x16xf32, #tpu.memory_space<hbm>> -> memref<100352x16xf32, #tpu.memory_space<hbm>>
      tpu.wait_indirect_dma semaphore(%arg13 : memref<!tpu.dma_semaphore, #tpu.memory_space<semaphore_mem>>) src(%dma_wait3A_252 : memref<100352x16xf32, #tpu.memory_space<hbm>>) dst(%dma_wait3A_246 : memref<512x16xf32, #tpu.memory_space<vmem>>)
      %dma_start3A_253 = arith.constant 0 : i32
      %dma_start3A_254 = arith.constant 0 : i32
      %dma_start3A_255 = arith.constant 0 : i32
      %dma_start3A_256 = arith.constant 0 : i32
      %dma_start3A_257 = tpu.memref_slice %arg12[%dma_start3A_253, %dma_start3A_255, %dma_start3A_256] : memref<2x512x16xf32, #tpu.memory_space<vmem>> -> memref<1x512x16xf32, #tpu.memory_space<vmem>>
      %dma_start3A_258 = tpu.memref_squeeze %dma_start3A_257 : memref<1x512x16xf32, #tpu.memory_space<vmem>> -> memref<512x16xf32, #tpu.memory_space<vmem>>
      %dma_start3A_259 = arith.constant 0 : i32
      %dma_start3A_260 = tpu.memref_slice %arg11[%dma_start3A_254, %dma_start3A_259] : memref<2x512xi32, #tpu.memory_space<vmem>> -> memref<1x512xi32, #tpu.memory_space<vmem>>
      %dma_start3A_261 = tpu.memref_squeeze %dma_start3A_260 : memref<1x512xi32, #tpu.memory_space<vmem>> -> memref<512xi32, #tpu.memory_space<vmem>>
      %dma_start3A_262 = arith.constant 0 : i32
      %dma_start3A_263 = arith.constant 0 : i32
      %dma_start3A_264 = tpu.memref_slice %arg9[%dma_start3A_262, %dma_start3A_263] : memref<100352x16xf32, #tpu.memory_space<vmem_shared>> -> memref<100352x16xf32, #tpu.memory_space<vmem_shared>>
      tpu.enqueue_indirect_dma source(%dma_start3A_258 : memref<512x16xf32, #tpu.memory_space<vmem>>) target(%dma_start3A_264 : memref<100352x16xf32, #tpu.memory_space<vmem_shared>>) offsets(%dma_start3A_261 : memref<512xi32, #tpu.memory_space<vmem>>) semaphore(%arg15 : memref<!tpu.dma_semaphore, #tpu.memory_space<semaphore_mem>>) {add = true}
      %dma_start3A_265 = arith.constant 0 : i32
      %dma_start3A_266 = arith.constant 0 : i32
      %dma_start3A_267 = tpu.memref_slice %arg11[%dma_start3A_265, %dma_start3A_266] : memref<2x512xi32, #tpu.memory_space<vmem>> -> memref<1x512xi32, #tpu.memory_space<vmem>>
      %dma_start3A_268 = tpu.memref_squeeze %dma_start3A_267 : memref<1x512xi32, #tpu.memory_space<vmem>> -> memref<512xi32, #tpu.memory_space<vmem>>
      %dma_start3A_269 = arith.constant 0 : i32
      %dma_start3A_270 = tpu.memref_slice %arg17[%dma_start3A_269] : memref<100352xf32, #tpu.memory_space<vmem_shared>> -> memref<100352xf32, #tpu.memory_space<vmem_shared>>
      tpu.enqueue_indirect_dma source(%arg18 : memref<512xf32, #tpu.memory_space<vmem>>) target(%dma_start3A_270 : memref<100352xf32, #tpu.memory_space<vmem_shared>>) offsets(%dma_start3A_268 : memref<512xi32, #tpu.memory_space<vmem>>) semaphore(%arg15 : memref<!tpu.dma_semaphore, #tpu.memory_space<semaphore_mem>>) {add = true}
      %dma_wait3A_271 = arith.constant 0 : i32
      %dma_wait3A_272 = arith.constant 0 : i32
      %dma_wait3A_273 = arith.constant 0 : i32
      %dma_wait3A_274 = arith.constant 0 : i32
      %dma_wait3A_275 = tpu.memref_slice %arg12[%dma_wait3A_271, %dma_wait3A_273, %dma_wait3A_274] : memref<2x512x16xf32, #tpu.memory_space<vmem>> -> memref<1x512x16xf32, #tpu.memory_space<vmem>>
      %dma_wait3A_276 = tpu.memref_squeeze %dma_wait3A_275 : memref<1x512x16xf32, #tpu.memory_space<vmem>> -> memref<512x16xf32, #tpu.memory_space<vmem>>
      %dma_wait3A_277 = arith.constant 0 : i32
      %dma_wait3A_278 = tpu.memref_slice %arg11[%dma_wait3A_272, %dma_wait3A_277] : memref<2x512xi32, #tpu.memory_space<vmem>> -> memref<1x512xi32, #tpu.memory_space<vmem>>
      %dma_wait3A_279 = tpu.memref_squeeze %dma_wait3A_278 : memref<1x512xi32, #tpu.memory_space<vmem>> -> memref<512xi32, #tpu.memory_space<vmem>>
      %dma_wait3A_280 = arith.constant 0 : i32
      %dma_wait3A_281 = arith.constant 0 : i32
      %dma_wait3A_282 = tpu.memref_slice %arg9[%dma_wait3A_280, %dma_wait3A_281] : memref<100352x16xf32, #tpu.memory_space<vmem_shared>> -> memref<100352x16xf32, #tpu.memory_space<vmem_shared>>
      tpu.wait_indirect_dma semaphore(%arg15 : memref<!tpu.dma_semaphore, #tpu.memory_space<semaphore_mem>>) src(%dma_wait3A_276 : memref<512x16xf32, #tpu.memory_space<vmem>>) dst(%dma_wait3A_282 : memref<100352x16xf32, #tpu.memory_space<vmem_shared>>)
      %dma_wait3A_283 = arith.constant 0 : i32
      %dma_wait3A_284 = arith.constant 0 : i32
      %dma_wait3A_285 = tpu.memref_slice %arg11[%dma_wait3A_283, %dma_wait3A_284] : memref<2x512xi32, #tpu.memory_space<vmem>> -> memref<1x512xi32, #tpu.memory_space<vmem>>
      %dma_wait3A_286 = tpu.memref_squeeze %dma_wait3A_285 : memref<1x512xi32, #tpu.memory_space<vmem>> -> memref<512xi32, #tpu.memory_space<vmem>>
      %dma_wait3A_287 = arith.constant 0 : i32
      %dma_wait3A_288 = tpu.memref_slice %arg17[%dma_wait3A_287] : memref<100352xf32, #tpu.memory_space<vmem_shared>> -> memref<100352xf32, #tpu.memory_space<vmem_shared>>
      tpu.wait_indirect_dma semaphore(%arg15 : memref<!tpu.dma_semaphore, #tpu.memory_space<semaphore_mem>>) src(%arg18 : memref<512xf32, #tpu.memory_space<vmem>>) dst(%dma_wait3A_288 : memref<100352xf32, #tpu.memory_space<vmem_shared>>)
      %lt3A = arith.constant 97 : i32
      %lt3A_289 = arith.cmpi slt, %scan3A_217, %lt3A : i32
      %convert_element_type3A = arith.extui %lt3A_289 : i1 to i32
      %cond3A = arith.constant 0 : i32
      %cond3A_290 = arith.cmpi ne, %convert_element_type3A, %cond3A : i32
      scf.if %cond3A_290 {
        %add3A_339 = arith.constant 2 : i32
        %add3A_340 = arith.addi %mul3A_219, %add3A_339 : i32
        %mul3A_341 = arith.constant 512 : i32
        %mul3A_342 = arith.muli %add3A_340, %mul3A_341 : i32
        %add3A_343 = arith.addi %mul3A_4, %mul3A_342 : i32
        %run_scoped3A_344 = arith.constant 0 : i32
        "tpu.region"() ({
          %run_scoped3A_361 = tpu.sem_alloc : memref<!tpu.dma_semaphore, #tpu.memory_space<semaphore_mem>>
          %dma_start3A_362 = arith.constant 0 : i32
          %dma_start3A_363 = tpu.memref_slice %arg10[%run_scoped3A_344, %dma_start3A_362] : memref<2x512xi32, #tpu.memory_space<vmem>> -> memref<1x512xi32, #tpu.memory_space<vmem>>
          %dma_start3A_364 = tpu.memref_squeeze %dma_start3A_363 : memref<1x512xi32, #tpu.memory_space<vmem>> -> memref<512xi32, #tpu.memory_space<vmem>>
          %dma_start3A_365 = tpu.memref_slice %arg3[%add3A_343] : memref<3211264xi32, #tpu.memory_space<hbm>> -> memref<512xi32, #tpu.memory_space<hbm>>
          %dma_start3A_366 = arith.constant 0 : i32
          %dma_start3A_367 = tpu.memref_slice %arg10[%run_scoped3A_344, %dma_start3A_366] : memref<2x512xi32, #tpu.memory_space<vmem>> -> memref<1x512xi32, #tpu.memory_space<vmem>>
          %dma_start3A_368 = tpu.memref_squeeze %dma_start3A_367 : memref<1x512xi32, #tpu.memory_space<vmem>> -> memref<512xi32, #tpu.memory_space<vmem>>
          %dma_start3A_369 = tpu.memref_slice %arg3[%add3A_343] : memref<3211264xi32, #tpu.memory_space<hbm>> -> memref<512xi32, #tpu.memory_space<hbm>>
          tpu.enqueue_dma source(%dma_start3A_369 : memref<512xi32, #tpu.memory_space<hbm>>) target(%dma_start3A_368 : memref<512xi32, #tpu.memory_space<vmem>>) target_semaphore(%run_scoped3A_361 : memref<!tpu.dma_semaphore, #tpu.memory_space<semaphore_mem>>)
          %dma_wait3A_370 = arith.constant 0 : i32
          %dma_wait3A_371 = tpu.memref_slice %arg10[%run_scoped3A_344, %dma_wait3A_370] : memref<2x512xi32, #tpu.memory_space<vmem>> -> memref<1x512xi32, #tpu.memory_space<vmem>>
          %dma_wait3A_372 = tpu.memref_squeeze %dma_wait3A_371 : memref<1x512xi32, #tpu.memory_space<vmem>> -> memref<512xi32, #tpu.memory_space<vmem>>
          %dma_wait3A_373 = tpu.memref_slice %arg3[%add3A_343] : memref<3211264xi32, #tpu.memory_space<hbm>> -> memref<512xi32, #tpu.memory_space<hbm>>
          %dma_wait3A_374 = arith.constant 0 : i32
          %dma_wait3A_375 = tpu.memref_slice %arg10[%run_scoped3A_344, %dma_wait3A_374] : memref<2x512xi32, #tpu.memory_space<vmem>> -> memref<1x512xi32, #tpu.memory_space<vmem>>
          %dma_wait3A_376 = tpu.memref_squeeze %dma_wait3A_375 : memref<1x512xi32, #tpu.memory_space<vmem>> -> memref<512xi32, #tpu.memory_space<vmem>>
          %dma_wait3A_377 = tpu.memref_slice %arg3[%add3A_343] : memref<3211264xi32, #tpu.memory_space<hbm>> -> memref<512xi32, #tpu.memory_space<hbm>>
          tpu.wait_dma2 semaphore(%run_scoped3A_361 : memref<!tpu.dma_semaphore, #tpu.memory_space<semaphore_mem>>) src(%dma_wait3A_377 : memref<512xi32, #tpu.memory_space<hbm>>) dst(%dma_wait3A_376 : memref<512xi32, #tpu.memory_space<vmem>>)
          tpu.yield
        }) : () -> ()
        %mul3A_345 = arith.constant 512 : i32
        %mul3A_346 = arith.muli %add3A_340, %mul3A_345 : i32
        %add3A_347 = arith.addi %mul3A_4, %mul3A_346 : i32
        %run_scoped3A_348 = arith.constant 0 : i32
        "tpu.region"() ({
          %run_scoped3A_361 = tpu.sem_alloc : memref<!tpu.dma_semaphore, #tpu.memory_space<semaphore_mem>>
          %dma_start3A_362 = arith.constant 0 : i32
          %dma_start3A_363 = tpu.memref_slice %arg11[%run_scoped3A_348, %dma_start3A_362] : memref<2x512xi32, #tpu.memory_space<vmem>> -> memref<1x512xi32, #tpu.memory_space<vmem>>
          %dma_start3A_364 = tpu.memref_squeeze %dma_start3A_363 : memref<1x512xi32, #tpu.memory_space<vmem>> -> memref<512xi32, #tpu.memory_space<vmem>>
          %dma_start3A_365 = tpu.memref_slice %arg4[%add3A_347] : memref<3211264xi32, #tpu.memory_space<hbm>> -> memref<512xi32, #tpu.memory_space<hbm>>
          %dma_start3A_366 = arith.constant 0 : i32
          %dma_start3A_367 = tpu.memref_slice %arg11[%run_scoped3A_348, %dma_start3A_366] : memref<2x512xi32, #tpu.memory_space<vmem>> -> memref<1x512xi32, #tpu.memory_space<vmem>>
          %dma_start3A_368 = tpu.memref_squeeze %dma_start3A_367 : memref<1x512xi32, #tpu.memory_space<vmem>> -> memref<512xi32, #tpu.memory_space<vmem>>
          %dma_start3A_369 = tpu.memref_slice %arg4[%add3A_347] : memref<3211264xi32, #tpu.memory_space<hbm>> -> memref<512xi32, #tpu.memory_space<hbm>>
          tpu.enqueue_dma source(%dma_start3A_369 : memref<512xi32, #tpu.memory_space<hbm>>) target(%dma_start3A_368 : memref<512xi32, #tpu.memory_space<vmem>>) target_semaphore(%run_scoped3A_361 : memref<!tpu.dma_semaphore, #tpu.memory_space<semaphore_mem>>)
          %dma_wait3A_370 = arith.constant 0 : i32
          %dma_wait3A_371 = tpu.memref_slice %arg11[%run_scoped3A_348, %dma_wait3A_370] : memref<2x512xi32, #tpu.memory_space<vmem>> -> memref<1x512xi32, #tpu.memory_space<vmem>>
          %dma_wait3A_372 = tpu.memref_squeeze %dma_wait3A_371 : memref<1x512xi32, #tpu.memory_space<vmem>> -> memref<512xi32, #tpu.memory_space<vmem>>
          %dma_wait3A_373 = tpu.memref_slice %arg4[%add3A_347] : memref<3211264xi32, #tpu.memory_space<hbm>> -> memref<512xi32, #tpu.memory_space<hbm>>
          %dma_wait3A_374 = arith.constant 0 : i32
          %dma_wait3A_375 = tpu.memref_slice %arg11[%run_scoped3A_348, %dma_wait3A_374] : memref<2x512xi32, #tpu.memory_space<vmem>> -> memref<1x512xi32, #tpu.memory_space<vmem>>
          %dma_wait3A_376 = tpu.memref_squeeze %dma_wait3A_375 : memref<1x512xi32, #tpu.memory_space<vmem>> -> memref<512xi32, #tpu.memory_space<vmem>>
          %dma_wait3A_377 = tpu.memref_slice %arg4[%add3A_347] : memref<3211264xi32, #tpu.memory_space<hbm>> -> memref<512xi32, #tpu.memory_space<hbm>>
          tpu.wait_dma2 semaphore(%run_scoped3A_361 : memref<!tpu.dma_semaphore, #tpu.memory_space<semaphore_mem>>) src(%dma_wait3A_377 : memref<512xi32, #tpu.memory_space<hbm>>) dst(%dma_wait3A_376 : memref<512xi32, #tpu.memory_space<vmem>>)
          tpu.yield
        }) : () -> ()
        %dma_start3A_349 = arith.constant 0 : i32
        %dma_start3A_350 = arith.constant 0 : i32
        %dma_start3A_351 = arith.constant 0 : i32
        %dma_start3A_352 = arith.constant 0 : i32
        %dma_start3A_353 = tpu.memref_slice %arg12[%dma_start3A_350, %dma_start3A_351, %dma_start3A_352] : memref<2x512x16xf32, #tpu.memory_space<vmem>> -> memref<1x512x16xf32, #tpu.memory_space<vmem>>
        %dma_start3A_354 = tpu.memref_squeeze %dma_start3A_353 : memref<1x512x16xf32, #tpu.memory_space<vmem>> -> memref<512x16xf32, #tpu.memory_space<vmem>>
        %dma_start3A_355 = arith.constant 0 : i32
        %dma_start3A_356 = tpu.memref_slice %arg10[%dma_start3A_349, %dma_start3A_355] : memref<2x512xi32, #tpu.memory_space<vmem>> -> memref<1x512xi32, #tpu.memory_space<vmem>>
        %dma_start3A_357 = tpu.memref_squeeze %dma_start3A_356 : memref<1x512xi32, #tpu.memory_space<vmem>> -> memref<512xi32, #tpu.memory_space<vmem>>
        %dma_start3A_358 = arith.constant 0 : i32
        %dma_start3A_359 = arith.constant 0 : i32
        %dma_start3A_360 = tpu.memref_slice %arg2[%dma_start3A_358, %dma_start3A_359] : memref<100352x16xf32, #tpu.memory_space<hbm>> -> memref<100352x16xf32, #tpu.memory_space<hbm>>
        tpu.enqueue_indirect_dma source(%dma_start3A_360 : memref<100352x16xf32, #tpu.memory_space<hbm>>) target(%dma_start3A_354 : memref<512x16xf32, #tpu.memory_space<vmem>>) offsets(%dma_start3A_357 : memref<512xi32, #tpu.memory_space<vmem>>) semaphore(%arg13 : memref<!tpu.dma_semaphore, #tpu.memory_space<semaphore_mem>>)
      } else {
      }
      %dma_wait3A_291 = arith.constant 1 : i32
      %dma_wait3A_292 = arith.constant 1 : i32
      %dma_wait3A_293 = arith.constant 0 : i32
      %dma_wait3A_294 = arith.constant 0 : i32
      %dma_wait3A_295 = tpu.memref_slice %arg12[%dma_wait3A_292, %dma_wait3A_293, %dma_wait3A_294] : memref<2x512x16xf32, #tpu.memory_space<vmem>> -> memref<1x512x16xf32, #tpu.memory_space<vmem>>
      %dma_wait3A_296 = tpu.memref_squeeze %dma_wait3A_295 : memref<1x512x16xf32, #tpu.memory_space<vmem>> -> memref<512x16xf32, #tpu.memory_space<vmem>>
      %dma_wait3A_297 = arith.constant 0 : i32
      %dma_wait3A_298 = tpu.memref_slice %arg10[%dma_wait3A_291, %dma_wait3A_297] : memref<2x512xi32, #tpu.memory_space<vmem>> -> memref<1x512xi32, #tpu.memory_space<vmem>>
      %dma_wait3A_299 = tpu.memref_squeeze %dma_wait3A_298 : memref<1x512xi32, #tpu.memory_space<vmem>> -> memref<512xi32, #tpu.memory_space<vmem>>
      %dma_wait3A_300 = arith.constant 0 : i32
      %dma_wait3A_301 = arith.constant 0 : i32
      %dma_wait3A_302 = tpu.memref_slice %arg2[%dma_wait3A_300, %dma_wait3A_301] : memref<100352x16xf32, #tpu.memory_space<hbm>> -> memref<100352x16xf32, #tpu.memory_space<hbm>>
      tpu.wait_indirect_dma semaphore(%arg14 : memref<!tpu.dma_semaphore, #tpu.memory_space<semaphore_mem>>) src(%dma_wait3A_302 : memref<100352x16xf32, #tpu.memory_space<hbm>>) dst(%dma_wait3A_296 : memref<512x16xf32, #tpu.memory_space<vmem>>)
      %dma_start3A_303 = arith.constant 1 : i32
      %dma_start3A_304 = arith.constant 1 : i32
      %dma_start3A_305 = arith.constant 0 : i32
      %dma_start3A_306 = arith.constant 0 : i32
      %dma_start3A_307 = tpu.memref_slice %arg12[%dma_start3A_303, %dma_start3A_305, %dma_start3A_306] : memref<2x512x16xf32, #tpu.memory_space<vmem>> -> memref<1x512x16xf32, #tpu.memory_space<vmem>>
      %dma_start3A_308 = tpu.memref_squeeze %dma_start3A_307 : memref<1x512x16xf32, #tpu.memory_space<vmem>> -> memref<512x16xf32, #tpu.memory_space<vmem>>
      %dma_start3A_309 = arith.constant 0 : i32
      %dma_start3A_310 = tpu.memref_slice %arg11[%dma_start3A_304, %dma_start3A_309] : memref<2x512xi32, #tpu.memory_space<vmem>> -> memref<1x512xi32, #tpu.memory_space<vmem>>
      %dma_start3A_311 = tpu.memref_squeeze %dma_start3A_310 : memref<1x512xi32, #tpu.memory_space<vmem>> -> memref<512xi32, #tpu.memory_space<vmem>>
      %dma_start3A_312 = arith.constant 0 : i32
      %dma_start3A_313 = arith.constant 0 : i32
      %dma_start3A_314 = tpu.memref_slice %arg9[%dma_start3A_312, %dma_start3A_313] : memref<100352x16xf32, #tpu.memory_space<vmem_shared>> -> memref<100352x16xf32, #tpu.memory_space<vmem_shared>>
      tpu.enqueue_indirect_dma source(%dma_start3A_308 : memref<512x16xf32, #tpu.memory_space<vmem>>) target(%dma_start3A_314 : memref<100352x16xf32, #tpu.memory_space<vmem_shared>>) offsets(%dma_start3A_311 : memref<512xi32, #tpu.memory_space<vmem>>) semaphore(%arg16 : memref<!tpu.dma_semaphore, #tpu.memory_space<semaphore_mem>>) {add = true}
      %dma_start3A_315 = arith.constant 1 : i32
      %dma_start3A_316 = arith.constant 0 : i32
      %dma_start3A_317 = tpu.memref_slice %arg11[%dma_start3A_315, %dma_start3A_316] : memref<2x512xi32, #tpu.memory_space<vmem>> -> memref<1x512xi32, #tpu.memory_space<vmem>>
      %dma_start3A_318 = tpu.memref_squeeze %dma_start3A_317 : memref<1x512xi32, #tpu.memory_space<vmem>> -> memref<512xi32, #tpu.memory_space<vmem>>
      %dma_start3A_319 = arith.constant 0 : i32
      %dma_start3A_320 = tpu.memref_slice %arg17[%dma_start3A_319] : memref<100352xf32, #tpu.memory_space<vmem_shared>> -> memref<100352xf32, #tpu.memory_space<vmem_shared>>
      tpu.enqueue_indirect_dma source(%arg18 : memref<512xf32, #tpu.memory_space<vmem>>) target(%dma_start3A_320 : memref<100352xf32, #tpu.memory_space<vmem_shared>>) offsets(%dma_start3A_318 : memref<512xi32, #tpu.memory_space<vmem>>) semaphore(%arg16 : memref<!tpu.dma_semaphore, #tpu.memory_space<semaphore_mem>>) {add = true}
      %dma_wait3A_321 = arith.constant 1 : i32
      %dma_wait3A_322 = arith.constant 1 : i32
      %dma_wait3A_323 = arith.constant 0 : i32
      %dma_wait3A_324 = arith.constant 0 : i32
      %dma_wait3A_325 = tpu.memref_slice %arg12[%dma_wait3A_321, %dma_wait3A_323, %dma_wait3A_324] : memref<2x512x16xf32, #tpu.memory_space<vmem>> -> memref<1x512x16xf32, #tpu.memory_space<vmem>>
      %dma_wait3A_326 = tpu.memref_squeeze %dma_wait3A_325 : memref<1x512x16xf32, #tpu.memory_space<vmem>> -> memref<512x16xf32, #tpu.memory_space<vmem>>
      %dma_wait3A_327 = arith.constant 0 : i32
      %dma_wait3A_328 = tpu.memref_slice %arg11[%dma_wait3A_322, %dma_wait3A_327] : memref<2x512xi32, #tpu.memory_space<vmem>> -> memref<1x512xi32, #tpu.memory_space<vmem>>
      %dma_wait3A_329 = tpu.memref_squeeze %dma_wait3A_328 : memref<1x512xi32, #tpu.memory_space<vmem>> -> memref<512xi32, #tpu.memory_space<vmem>>
      %dma_wait3A_330 = arith.constant 0 : i32
      %dma_wait3A_331 = arith.constant 0 : i32
      %dma_wait3A_332 = tpu.memref_slice %arg9[%dma_wait3A_330, %dma_wait3A_331] : memref<100352x16xf32, #tpu.memory_space<vmem_shared>> -> memref<100352x16xf32, #tpu.memory_space<vmem_shared>>
      tpu.wait_indirect_dma semaphore(%arg16 : memref<!tpu.dma_semaphore, #tpu.memory_space<semaphore_mem>>) src(%dma_wait3A_326 : memref<512x16xf32, #tpu.memory_space<vmem>>) dst(%dma_wait3A_332 : memref<100352x16xf32, #tpu.memory_space<vmem_shared>>)
      %dma_wait3A_333 = arith.constant 1 : i32
      %dma_wait3A_334 = arith.constant 0 : i32
      %dma_wait3A_335 = tpu.memref_slice %arg11[%dma_wait3A_333, %dma_wait3A_334] : memref<2x512xi32, #tpu.memory_space<vmem>> -> memref<1x512xi32, #tpu.memory_space<vmem>>
      %dma_wait3A_336 = tpu.memref_squeeze %dma_wait3A_335 : memref<1x512xi32, #tpu.memory_space<vmem>> -> memref<512xi32, #tpu.memory_space<vmem>>
      %dma_wait3A_337 = arith.constant 0 : i32
      %dma_wait3A_338 = tpu.memref_slice %arg17[%dma_wait3A_337] : memref<100352xf32, #tpu.memory_space<vmem_shared>> -> memref<100352xf32, #tpu.memory_space<vmem_shared>>
      tpu.wait_indirect_dma semaphore(%arg16 : memref<!tpu.dma_semaphore, #tpu.memory_space<semaphore_mem>>) src(%arg18 : memref<512xf32, #tpu.memory_space<vmem>>) dst(%dma_wait3A_338 : memref<100352xf32, #tpu.memory_space<vmem_shared>>)
    }
    %scan3A_215 = arith.constant 98 : i32
    %barrier3A_216 = arith.constant 0 : index
    tpu.barrier barrier_id(%barrier3A_216)
    "tpu.region"() ({
      %run_scoped3A_217 = tpu.sem_alloc : memref<!tpu.dma_semaphore, #tpu.memory_space<semaphore_mem>>
      %dma_start3A_218 = arith.constant 0 : i32
      %dma_start3A_219 = tpu.memref_slice %arg7[%arg0, %mul3A_2, %dma_start3A_218] : memref<2x100352x16xf32, #tpu.memory_space<hbm>> -> memref<1x6272x16xf32, #tpu.memory_space<hbm>>
      %dma_start3A_220 = tpu.memref_squeeze %dma_start3A_219 : memref<1x6272x16xf32, #tpu.memory_space<hbm>> -> memref<6272x16xf32, #tpu.memory_space<hbm>>
      %dma_start3A_221 = arith.constant 0 : i32
      %dma_start3A_222 = tpu.memref_slice %arg9[%mul3A_2, %dma_start3A_221] : memref<100352x16xf32, #tpu.memory_space<vmem_shared>> -> memref<6272x16xf32, #tpu.memory_space<vmem_shared>>
      tpu.enqueue_dma source(%dma_start3A_222 : memref<6272x16xf32, #tpu.memory_space<vmem_shared>>) target(%dma_start3A_220 : memref<6272x16xf32, #tpu.memory_space<hbm>>) target_semaphore(%run_scoped3A_217 : memref<!tpu.dma_semaphore, #tpu.memory_space<semaphore_mem>>)
      %dma_wait3A = arith.constant 0 : i32
      %dma_wait3A_223 = tpu.memref_slice %arg7[%arg0, %mul3A_2, %dma_wait3A] : memref<2x100352x16xf32, #tpu.memory_space<hbm>> -> memref<1x6272x16xf32, #tpu.memory_space<hbm>>
      %dma_wait3A_224 = tpu.memref_squeeze %dma_wait3A_223 : memref<1x6272x16xf32, #tpu.memory_space<hbm>> -> memref<6272x16xf32, #tpu.memory_space<hbm>>
      %dma_wait3A_225 = arith.constant 0 : i32
      %dma_wait3A_226 = tpu.memref_slice %arg9[%mul3A_2, %dma_wait3A_225] : memref<100352x16xf32, #tpu.memory_space<vmem_shared>> -> memref<6272x16xf32, #tpu.memory_space<vmem_shared>>
      tpu.wait_dma2 semaphore(%run_scoped3A_217 : memref<!tpu.dma_semaphore, #tpu.memory_space<semaphore_mem>>) src(%dma_wait3A_226 : memref<6272x16xf32, #tpu.memory_space<vmem_shared>>) dst(%dma_wait3A_224 : memref<6272x16xf32, #tpu.memory_space<hbm>>)
      tpu.yield
    }) : () -> ()
    "tpu.region"() ({
      %run_scoped3A_217 = tpu.sem_alloc : memref<!tpu.dma_semaphore, #tpu.memory_space<semaphore_mem>>
      %dma_start3A_218 = tpu.memref_slice %arg8[%arg0, %mul3A_2] : memref<2x100352xf32, #tpu.memory_space<hbm>> -> memref<1x6272xf32, #tpu.memory_space<hbm>>
      %dma_start3A_219 = tpu.memref_squeeze %dma_start3A_218 : memref<1x6272xf32, #tpu.memory_space<hbm>> -> memref<6272xf32, #tpu.memory_space<hbm>>
      %dma_start3A_220 = tpu.memref_slice %arg17[%mul3A_2] : memref<100352xf32, #tpu.memory_space<vmem_shared>> -> memref<6272xf32, #tpu.memory_space<vmem_shared>>
      tpu.enqueue_dma source(%dma_start3A_220 : memref<6272xf32, #tpu.memory_space<vmem_shared>>) target(%dma_start3A_219 : memref<6272xf32, #tpu.memory_space<hbm>>) target_semaphore(%run_scoped3A_217 : memref<!tpu.dma_semaphore, #tpu.memory_space<semaphore_mem>>)
      %dma_wait3A = tpu.memref_slice %arg8[%arg0, %mul3A_2] : memref<2x100352xf32, #tpu.memory_space<hbm>> -> memref<1x6272xf32, #tpu.memory_space<hbm>>
      %dma_wait3A_221 = tpu.memref_squeeze %dma_wait3A : memref<1x6272xf32, #tpu.memory_space<hbm>> -> memref<6272xf32, #tpu.memory_space<hbm>>
      %dma_wait3A_222 = tpu.memref_slice %arg17[%mul3A_2] : memref<100352xf32, #tpu.memory_space<vmem_shared>> -> memref<6272xf32, #tpu.memory_space<vmem_shared>>
      tpu.wait_dma2 semaphore(%run_scoped3A_217 : memref<!tpu.dma_semaphore, #tpu.memory_space<semaphore_mem>>) src(%dma_wait3A_222 : memref<6272xf32, #tpu.memory_space<vmem_shared>>) dst(%dma_wait3A_221 : memref<6272xf32, #tpu.memory_space<hbm>>)
      tpu.yield
    }) : () -> ()
    return
  }
}

#map = affine_map<(d0, d1) -> (0, 0)>
#map1 = affine_map<(d0, d1) -> (0)>
#map2 = affine_map<(d0, d1) -> (0, 0, 0)>
module attributes {stable_mosaic.version = 14 : i64} {
  func.func @body(%arg0: i32, %arg1: i32, %arg2: memref<100352x16xf32, #tpu.memory_space<hbm>>, %arg3: memref<3211264xi32, #tpu.memory_space<hbm>>, %arg4: memref<3211264xi32, #tpu.memory_space<hbm>>, %arg5: memref<100352x16xf32, #tpu.memory_space<hbm>>, %arg6: memref<2x100352x16xf32, #tpu.memory_space<hbm>>, %arg7: memref<100352x16xf32, #tpu.memory_space<vmem_shared>>, %arg8: memref<2x512xi32, #tpu.memory_space<vmem>>, %arg9: memref<2x512xi32, #tpu.memory_space<vmem>>, %arg10: memref<2x512x16xf32, #tpu.memory_space<vmem>>, %arg11: memref<!tpu.dma_semaphore, #tpu.memory_space<semaphore_mem>>, %arg12: memref<!tpu.dma_semaphore, #tpu.memory_space<semaphore_mem>>, %arg13: memref<!tpu.dma_semaphore, #tpu.memory_space<semaphore_mem>>, %arg14: memref<!tpu.dma_semaphore, #tpu.memory_space<semaphore_mem>>) attributes {dimension_semantics = [#tpu.dimension_semantics<core_parallel>, #tpu.dimension_semantics<subcore_parallel>], iteration_bounds = array<i64: 2, 16>, scalar_prefetch = 0 : i64, scratch_operands = 8 : i64, tpu.core_type = #tpu.core_type<sc_vector_subcore>, window_params = [{transform_indices = #map}, {transform_indices = #map1}, {transform_indices = #map1}, {transform_indices = #map}, {transform_indices = #map2}]} {
    %mul3A = arith.constant 2 : i32
    %mul3A_0 = arith.muli %arg1, %mul3A : i32
    %add3A = arith.addi %mul3A_0, %arg0 : i32
    %mul3A_1 = arith.constant 6272 : i32
    %mul3A_2 = arith.muli %arg1, %mul3A_1 : i32
    %mul3A_3 = arith.constant 100352 : i32
    %mul3A_4 = arith.muli %add3A, %mul3A_3 : i32
    "tpu.region"() ({
      %run_scoped3A_27 = tpu.sem_alloc : memref<!tpu.dma_semaphore, #tpu.memory_space<semaphore_mem>>
      %dma_start3A_28 = arith.constant 0 : i32
      %dma_start3A_29 = tpu.memref_slice %arg7[%mul3A_2, %dma_start3A_28] : memref<100352x16xf32, #tpu.memory_space<vmem_shared>> -> memref<6272x16xf32, #tpu.memory_space<vmem_shared>>
      %dma_start3A_30 = arith.constant 0 : i32
      %dma_start3A_31 = tpu.memref_slice %arg5[%mul3A_2, %dma_start3A_30] : memref<100352x16xf32, #tpu.memory_space<hbm>> -> memref<6272x16xf32, #tpu.memory_space<hbm>>
      tpu.enqueue_dma source(%dma_start3A_31 : memref<6272x16xf32, #tpu.memory_space<hbm>>) target(%dma_start3A_29 : memref<6272x16xf32, #tpu.memory_space<vmem_shared>>) target_semaphore(%run_scoped3A_27 : memref<!tpu.dma_semaphore, #tpu.memory_space<semaphore_mem>>)
      %dma_wait3A = arith.constant 0 : i32
      %dma_wait3A_32 = tpu.memref_slice %arg7[%mul3A_2, %dma_wait3A] : memref<100352x16xf32, #tpu.memory_space<vmem_shared>> -> memref<6272x16xf32, #tpu.memory_space<vmem_shared>>
      %dma_wait3A_33 = arith.constant 0 : i32
      %dma_wait3A_34 = tpu.memref_slice %arg5[%mul3A_2, %dma_wait3A_33] : memref<100352x16xf32, #tpu.memory_space<hbm>> -> memref<6272x16xf32, #tpu.memory_space<hbm>>
      tpu.wait_dma2 semaphore(%run_scoped3A_27 : memref<!tpu.dma_semaphore, #tpu.memory_space<semaphore_mem>>) src(%dma_wait3A_34 : memref<6272x16xf32, #tpu.memory_space<hbm>>) dst(%dma_wait3A_32 : memref<6272x16xf32, #tpu.memory_space<vmem_shared>>)
      tpu.yield
    }) : () -> ()
    %barrier3A = arith.constant 0 : index
    tpu.barrier barrier_id(%barrier3A)
    %add3A_5 = arith.constant 0 : i32
    %add3A_6 = arith.addi %mul3A_4, %add3A_5 : i32
    %run_scoped3A = arith.constant 0 : i32
    "tpu.region"() ({
      %run_scoped3A_27 = tpu.sem_alloc : memref<!tpu.dma_semaphore, #tpu.memory_space<semaphore_mem>>
      %dma_start3A_28 = arith.constant 0 : i32
      %dma_start3A_29 = tpu.memref_slice %arg8[%run_scoped3A, %dma_start3A_28] : memref<2x512xi32, #tpu.memory_space<vmem>> -> memref<1x512xi32, #tpu.memory_space<vmem>>
      %dma_start3A_30 = tpu.memref_squeeze %dma_start3A_29 : memref<1x512xi32, #tpu.memory_space<vmem>> -> memref<512xi32, #tpu.memory_space<vmem>>
      %dma_start3A_31 = tpu.memref_slice %arg3[%add3A_6] : memref<3211264xi32, #tpu.memory_space<hbm>> -> memref<512xi32, #tpu.memory_space<hbm>>
      %dma_start3A_32 = arith.constant 0 : i32
      %dma_start3A_33 = tpu.memref_slice %arg8[%run_scoped3A, %dma_start3A_32] : memref<2x512xi32, #tpu.memory_space<vmem>> -> memref<1x512xi32, #tpu.memory_space<vmem>>
      %dma_start3A_34 = tpu.memref_squeeze %dma_start3A_33 : memref<1x512xi32, #tpu.memory_space<vmem>> -> memref<512xi32, #tpu.memory_space<vmem>>
      %dma_start3A_35 = tpu.memref_slice %arg3[%add3A_6] : memref<3211264xi32, #tpu.memory_space<hbm>> -> memref<512xi32, #tpu.memory_space<hbm>>
      tpu.enqueue_dma source(%dma_start3A_35 : memref<512xi32, #tpu.memory_space<hbm>>) target(%dma_start3A_34 : memref<512xi32, #tpu.memory_space<vmem>>) target_semaphore(%run_scoped3A_27 : memref<!tpu.dma_semaphore, #tpu.memory_space<semaphore_mem>>)
      %dma_wait3A = arith.constant 0 : i32
      %dma_wait3A_36 = tpu.memref_slice %arg8[%run_scoped3A, %dma_wait3A] : memref<2x512xi32, #tpu.memory_space<vmem>> -> memref<1x512xi32, #tpu.memory_space<vmem>>
      %dma_wait3A_37 = tpu.memref_squeeze %dma_wait3A_36 : memref<1x512xi32, #tpu.memory_space<vmem>> -> memref<512xi32, #tpu.memory_space<vmem>>
      %dma_wait3A_38 = tpu.memref_slice %arg3[%add3A_6] : memref<3211264xi32, #tpu.memory_space<hbm>> -> memref<512xi32, #tpu.memory_space<hbm>>
      %dma_wait3A_39 = arith.constant 0 : i32
      %dma_wait3A_40 = tpu.memref_slice %arg8[%run_scoped3A, %dma_wait3A_39] : memref<2x512xi32, #tpu.memory_space<vmem>> -> memref<1x512xi32, #tpu.memory_space<vmem>>
      %dma_wait3A_41 = tpu.memref_squeeze %dma_wait3A_40 : memref<1x512xi32, #tpu.memory_space<vmem>> -> memref<512xi32, #tpu.memory_space<vmem>>
      %dma_wait3A_42 = tpu.memref_slice %arg3[%add3A_6] : memref<3211264xi32, #tpu.memory_space<hbm>> -> memref<512xi32, #tpu.memory_space<hbm>>
      tpu.wait_dma2 semaphore(%run_scoped3A_27 : memref<!tpu.dma_semaphore, #tpu.memory_space<semaphore_mem>>) src(%dma_wait3A_42 : memref<512xi32, #tpu.memory_space<hbm>>) dst(%dma_wait3A_41 : memref<512xi32, #tpu.memory_space<vmem>>)
      tpu.yield
    }) : () -> ()
    %add3A_7 = arith.constant 0 : i32
    %add3A_8 = arith.addi %mul3A_4, %add3A_7 : i32
    %run_scoped3A_9 = arith.constant 0 : i32
    "tpu.region"() ({
      %run_scoped3A_27 = tpu.sem_alloc : memref<!tpu.dma_semaphore, #tpu.memory_space<semaphore_mem>>
      %dma_start3A_28 = arith.constant 0 : i32
      %dma_start3A_29 = tpu.memref_slice %arg9[%run_scoped3A_9, %dma_start3A_28] : memref<2x512xi32, #tpu.memory_space<vmem>> -> memref<1x512xi32, #tpu.memory_space<vmem>>
      %dma_start3A_30 = tpu.memref_squeeze %dma_start3A_29 : memref<1x512xi32, #tpu.memory_space<vmem>> -> memref<512xi32, #tpu.memory_space<vmem>>
      %dma_start3A_31 = tpu.memref_slice %arg4[%add3A_8] : memref<3211264xi32, #tpu.memory_space<hbm>> -> memref<512xi32, #tpu.memory_space<hbm>>
      %dma_start3A_32 = arith.constant 0 : i32
      %dma_start3A_33 = tpu.memref_slice %arg9[%run_scoped3A_9, %dma_start3A_32] : memref<2x512xi32, #tpu.memory_space<vmem>> -> memref<1x512xi32, #tpu.memory_space<vmem>>
      %dma_start3A_34 = tpu.memref_squeeze %dma_start3A_33 : memref<1x512xi32, #tpu.memory_space<vmem>> -> memref<512xi32, #tpu.memory_space<vmem>>
      %dma_start3A_35 = tpu.memref_slice %arg4[%add3A_8] : memref<3211264xi32, #tpu.memory_space<hbm>> -> memref<512xi32, #tpu.memory_space<hbm>>
      tpu.enqueue_dma source(%dma_start3A_35 : memref<512xi32, #tpu.memory_space<hbm>>) target(%dma_start3A_34 : memref<512xi32, #tpu.memory_space<vmem>>) target_semaphore(%run_scoped3A_27 : memref<!tpu.dma_semaphore, #tpu.memory_space<semaphore_mem>>)
      %dma_wait3A = arith.constant 0 : i32
      %dma_wait3A_36 = tpu.memref_slice %arg9[%run_scoped3A_9, %dma_wait3A] : memref<2x512xi32, #tpu.memory_space<vmem>> -> memref<1x512xi32, #tpu.memory_space<vmem>>
      %dma_wait3A_37 = tpu.memref_squeeze %dma_wait3A_36 : memref<1x512xi32, #tpu.memory_space<vmem>> -> memref<512xi32, #tpu.memory_space<vmem>>
      %dma_wait3A_38 = tpu.memref_slice %arg4[%add3A_8] : memref<3211264xi32, #tpu.memory_space<hbm>> -> memref<512xi32, #tpu.memory_space<hbm>>
      %dma_wait3A_39 = arith.constant 0 : i32
      %dma_wait3A_40 = tpu.memref_slice %arg9[%run_scoped3A_9, %dma_wait3A_39] : memref<2x512xi32, #tpu.memory_space<vmem>> -> memref<1x512xi32, #tpu.memory_space<vmem>>
      %dma_wait3A_41 = tpu.memref_squeeze %dma_wait3A_40 : memref<1x512xi32, #tpu.memory_space<vmem>> -> memref<512xi32, #tpu.memory_space<vmem>>
      %dma_wait3A_42 = tpu.memref_slice %arg4[%add3A_8] : memref<3211264xi32, #tpu.memory_space<hbm>> -> memref<512xi32, #tpu.memory_space<hbm>>
      tpu.wait_dma2 semaphore(%run_scoped3A_27 : memref<!tpu.dma_semaphore, #tpu.memory_space<semaphore_mem>>) src(%dma_wait3A_42 : memref<512xi32, #tpu.memory_space<hbm>>) dst(%dma_wait3A_41 : memref<512xi32, #tpu.memory_space<vmem>>)
      tpu.yield
    }) : () -> ()
    %dma_start3A = arith.constant 0 : i32
    %dma_start3A_10 = arith.constant 0 : i32
    %dma_start3A_11 = arith.constant 0 : i32
    %dma_start3A_12 = arith.constant 0 : i32
    %dma_start3A_13 = tpu.memref_slice %arg10[%dma_start3A_10, %dma_start3A_11, %dma_start3A_12] : memref<2x512x16xf32, #tpu.memory_space<vmem>> -> memref<1x512x16xf32, #tpu.memory_space<vmem>>
    %dma_start3A_14 = tpu.memref_squeeze %dma_start3A_13 : memref<1x512x16xf32, #tpu.memory_space<vmem>> -> memref<512x16xf32, #tpu.memory_space<vmem>>
    %dma_start3A_15 = arith.constant 0 : i32
    %dma_start3A_16 = tpu.memref_slice %arg8[%dma_start3A, %dma_start3A_15] : memref<2x512xi32, #tpu.memory_space<vmem>> -> memref<1x512xi32, #tpu.memory_space<vmem>>
    %dma_start3A_17 = tpu.memref_squeeze %dma_start3A_16 : memref<1x512xi32, #tpu.memory_space<vmem>> -> memref<512xi32, #tpu.memory_space<vmem>>
    %dma_start3A_18 = arith.constant 0 : i32
    %dma_start3A_19 = arith.constant 0 : i32
    %dma_start3A_20 = tpu.memref_slice %arg2[%dma_start3A_18, %dma_start3A_19] : memref<100352x16xf32, #tpu.memory_space<hbm>> -> memref<100352x16xf32, #tpu.memory_space<hbm>>
    tpu.enqueue_indirect_dma source(%dma_start3A_20 : memref<100352x16xf32, #tpu.memory_space<hbm>>) target(%dma_start3A_14 : memref<512x16xf32, #tpu.memory_space<vmem>>) offsets(%dma_start3A_17 : memref<512xi32, #tpu.memory_space<vmem>>) semaphore(%arg11 : memref<!tpu.dma_semaphore, #tpu.memory_space<semaphore_mem>>)
    %scan3A = arith.constant 0 : i32
    %scan3A_21 = arith.constant 0 : i32
    %scan3A_22 = arith.constant 98 : i32
    %scan3A_23 = arith.addi %scan3A_21, %scan3A_22 : i32
    %scan3A_24 = arith.constant 1 : i32
    scf.for %scan3A_27 = %scan3A_21 to %scan3A_23 step %scan3A_24  : i32 {
      %mul3A_28 = arith.constant 2 : i32
      %mul3A_29 = arith.muli %mul3A_28, %scan3A_27 : i32
      %add3A_30 = arith.constant 1 : i32
      %add3A_31 = arith.addi %mul3A_29, %add3A_30 : i32
      %mul3A_32 = arith.constant 512 : i32
      %mul3A_33 = arith.muli %add3A_31, %mul3A_32 : i32
      %add3A_34 = arith.addi %mul3A_4, %mul3A_33 : i32
      %run_scoped3A_35 = arith.constant 1 : i32
      "tpu.region"() ({
        %run_scoped3A_125 = tpu.sem_alloc : memref<!tpu.dma_semaphore, #tpu.memory_space<semaphore_mem>>
        %dma_start3A_126 = arith.constant 0 : i32
        %dma_start3A_127 = tpu.memref_slice %arg8[%run_scoped3A_35, %dma_start3A_126] : memref<2x512xi32, #tpu.memory_space<vmem>> -> memref<1x512xi32, #tpu.memory_space<vmem>>
        %dma_start3A_128 = tpu.memref_squeeze %dma_start3A_127 : memref<1x512xi32, #tpu.memory_space<vmem>> -> memref<512xi32, #tpu.memory_space<vmem>>
        %dma_start3A_129 = tpu.memref_slice %arg3[%add3A_34] : memref<3211264xi32, #tpu.memory_space<hbm>> -> memref<512xi32, #tpu.memory_space<hbm>>
        %dma_start3A_130 = arith.constant 0 : i32
        %dma_start3A_131 = tpu.memref_slice %arg8[%run_scoped3A_35, %dma_start3A_130] : memref<2x512xi32, #tpu.memory_space<vmem>> -> memref<1x512xi32, #tpu.memory_space<vmem>>
        %dma_start3A_132 = tpu.memref_squeeze %dma_start3A_131 : memref<1x512xi32, #tpu.memory_space<vmem>> -> memref<512xi32, #tpu.memory_space<vmem>>
        %dma_start3A_133 = tpu.memref_slice %arg3[%add3A_34] : memref<3211264xi32, #tpu.memory_space<hbm>> -> memref<512xi32, #tpu.memory_space<hbm>>
        tpu.enqueue_dma source(%dma_start3A_133 : memref<512xi32, #tpu.memory_space<hbm>>) target(%dma_start3A_132 : memref<512xi32, #tpu.memory_space<vmem>>) target_semaphore(%run_scoped3A_125 : memref<!tpu.dma_semaphore, #tpu.memory_space<semaphore_mem>>)
        %dma_wait3A_134 = arith.constant 0 : i32
        %dma_wait3A_135 = tpu.memref_slice %arg8[%run_scoped3A_35, %dma_wait3A_134] : memref<2x512xi32, #tpu.memory_space<vmem>> -> memref<1x512xi32, #tpu.memory_space<vmem>>
        %dma_wait3A_136 = tpu.memref_squeeze %dma_wait3A_135 : memref<1x512xi32, #tpu.memory_space<vmem>> -> memref<512xi32, #tpu.memory_space<vmem>>
        %dma_wait3A_137 = tpu.memref_slice %arg3[%add3A_34] : memref<3211264xi32, #tpu.memory_space<hbm>> -> memref<512xi32, #tpu.memory_space<hbm>>
        %dma_wait3A_138 = arith.constant 0 : i32
        %dma_wait3A_139 = tpu.memref_slice %arg8[%run_scoped3A_35, %dma_wait3A_138] : memref<2x512xi32, #tpu.memory_space<vmem>> -> memref<1x512xi32, #tpu.memory_space<vmem>>
        %dma_wait3A_140 = tpu.memref_squeeze %dma_wait3A_139 : memref<1x512xi32, #tpu.memory_space<vmem>> -> memref<512xi32, #tpu.memory_space<vmem>>
        %dma_wait3A_141 = tpu.memref_slice %arg3[%add3A_34] : memref<3211264xi32, #tpu.memory_space<hbm>> -> memref<512xi32, #tpu.memory_space<hbm>>
        tpu.wait_dma2 semaphore(%run_scoped3A_125 : memref<!tpu.dma_semaphore, #tpu.memory_space<semaphore_mem>>) src(%dma_wait3A_141 : memref<512xi32, #tpu.memory_space<hbm>>) dst(%dma_wait3A_140 : memref<512xi32, #tpu.memory_space<vmem>>)
        tpu.yield
      }) : () -> ()
      %mul3A_36 = arith.constant 512 : i32
      %mul3A_37 = arith.muli %add3A_31, %mul3A_36 : i32
      %add3A_38 = arith.addi %mul3A_4, %mul3A_37 : i32
      %run_scoped3A_39 = arith.constant 1 : i32
      "tpu.region"() ({
        %run_scoped3A_125 = tpu.sem_alloc : memref<!tpu.dma_semaphore, #tpu.memory_space<semaphore_mem>>
        %dma_start3A_126 = arith.constant 0 : i32
        %dma_start3A_127 = tpu.memref_slice %arg9[%run_scoped3A_39, %dma_start3A_126] : memref<2x512xi32, #tpu.memory_space<vmem>> -> memref<1x512xi32, #tpu.memory_space<vmem>>
        %dma_start3A_128 = tpu.memref_squeeze %dma_start3A_127 : memref<1x512xi32, #tpu.memory_space<vmem>> -> memref<512xi32, #tpu.memory_space<vmem>>
        %dma_start3A_129 = tpu.memref_slice %arg4[%add3A_38] : memref<3211264xi32, #tpu.memory_space<hbm>> -> memref<512xi32, #tpu.memory_space<hbm>>
        %dma_start3A_130 = arith.constant 0 : i32
        %dma_start3A_131 = tpu.memref_slice %arg9[%run_scoped3A_39, %dma_start3A_130] : memref<2x512xi32, #tpu.memory_space<vmem>> -> memref<1x512xi32, #tpu.memory_space<vmem>>
        %dma_start3A_132 = tpu.memref_squeeze %dma_start3A_131 : memref<1x512xi32, #tpu.memory_space<vmem>> -> memref<512xi32, #tpu.memory_space<vmem>>
        %dma_start3A_133 = tpu.memref_slice %arg4[%add3A_38] : memref<3211264xi32, #tpu.memory_space<hbm>> -> memref<512xi32, #tpu.memory_space<hbm>>
        tpu.enqueue_dma source(%dma_start3A_133 : memref<512xi32, #tpu.memory_space<hbm>>) target(%dma_start3A_132 : memref<512xi32, #tpu.memory_space<vmem>>) target_semaphore(%run_scoped3A_125 : memref<!tpu.dma_semaphore, #tpu.memory_space<semaphore_mem>>)
        %dma_wait3A_134 = arith.constant 0 : i32
        %dma_wait3A_135 = tpu.memref_slice %arg9[%run_scoped3A_39, %dma_wait3A_134] : memref<2x512xi32, #tpu.memory_space<vmem>> -> memref<1x512xi32, #tpu.memory_space<vmem>>
        %dma_wait3A_136 = tpu.memref_squeeze %dma_wait3A_135 : memref<1x512xi32, #tpu.memory_space<vmem>> -> memref<512xi32, #tpu.memory_space<vmem>>
        %dma_wait3A_137 = tpu.memref_slice %arg4[%add3A_38] : memref<3211264xi32, #tpu.memory_space<hbm>> -> memref<512xi32, #tpu.memory_space<hbm>>
        %dma_wait3A_138 = arith.constant 0 : i32
        %dma_wait3A_139 = tpu.memref_slice %arg9[%run_scoped3A_39, %dma_wait3A_138] : memref<2x512xi32, #tpu.memory_space<vmem>> -> memref<1x512xi32, #tpu.memory_space<vmem>>
        %dma_wait3A_140 = tpu.memref_squeeze %dma_wait3A_139 : memref<1x512xi32, #tpu.memory_space<vmem>> -> memref<512xi32, #tpu.memory_space<vmem>>
        %dma_wait3A_141 = tpu.memref_slice %arg4[%add3A_38] : memref<3211264xi32, #tpu.memory_space<hbm>> -> memref<512xi32, #tpu.memory_space<hbm>>
        tpu.wait_dma2 semaphore(%run_scoped3A_125 : memref<!tpu.dma_semaphore, #tpu.memory_space<semaphore_mem>>) src(%dma_wait3A_141 : memref<512xi32, #tpu.memory_space<hbm>>) dst(%dma_wait3A_140 : memref<512xi32, #tpu.memory_space<vmem>>)
        tpu.yield
      }) : () -> ()
      %dma_start3A_40 = arith.constant 1 : i32
      %dma_start3A_41 = arith.constant 1 : i32
      %dma_start3A_42 = arith.constant 0 : i32
      %dma_start3A_43 = arith.constant 0 : i32
      %dma_start3A_44 = tpu.memref_slice %arg10[%dma_start3A_41, %dma_start3A_42, %dma_start3A_43] : memref<2x512x16xf32, #tpu.memory_space<vmem>> -> memref<1x512x16xf32, #tpu.memory_space<vmem>>
      %dma_start3A_45 = tpu.memref_squeeze %dma_start3A_44 : memref<1x512x16xf32, #tpu.memory_space<vmem>> -> memref<512x16xf32, #tpu.memory_space<vmem>>
      %dma_start3A_46 = arith.constant 0 : i32
      %dma_start3A_47 = tpu.memref_slice %arg8[%dma_start3A_40, %dma_start3A_46] : memref<2x512xi32, #tpu.memory_space<vmem>> -> memref<1x512xi32, #tpu.memory_space<vmem>>
      %dma_start3A_48 = tpu.memref_squeeze %dma_start3A_47 : memref<1x512xi32, #tpu.memory_space<vmem>> -> memref<512xi32, #tpu.memory_space<vmem>>
      %dma_start3A_49 = arith.constant 0 : i32
      %dma_start3A_50 = arith.constant 0 : i32
      %dma_start3A_51 = tpu.memref_slice %arg2[%dma_start3A_49, %dma_start3A_50] : memref<100352x16xf32, #tpu.memory_space<hbm>> -> memref<100352x16xf32, #tpu.memory_space<hbm>>
      tpu.enqueue_indirect_dma source(%dma_start3A_51 : memref<100352x16xf32, #tpu.memory_space<hbm>>) target(%dma_start3A_45 : memref<512x16xf32, #tpu.memory_space<vmem>>) offsets(%dma_start3A_48 : memref<512xi32, #tpu.memory_space<vmem>>) semaphore(%arg12 : memref<!tpu.dma_semaphore, #tpu.memory_space<semaphore_mem>>)
      %dma_wait3A = arith.constant 0 : i32
      %dma_wait3A_52 = arith.constant 0 : i32
      %dma_wait3A_53 = arith.constant 0 : i32
      %dma_wait3A_54 = arith.constant 0 : i32
      %dma_wait3A_55 = tpu.memref_slice %arg10[%dma_wait3A_52, %dma_wait3A_53, %dma_wait3A_54] : memref<2x512x16xf32, #tpu.memory_space<vmem>> -> memref<1x512x16xf32, #tpu.memory_space<vmem>>
      %dma_wait3A_56 = tpu.memref_squeeze %dma_wait3A_55 : memref<1x512x16xf32, #tpu.memory_space<vmem>> -> memref<512x16xf32, #tpu.memory_space<vmem>>
      %dma_wait3A_57 = arith.constant 0 : i32
      %dma_wait3A_58 = tpu.memref_slice %arg8[%dma_wait3A, %dma_wait3A_57] : memref<2x512xi32, #tpu.memory_space<vmem>> -> memref<1x512xi32, #tpu.memory_space<vmem>>
      %dma_wait3A_59 = tpu.memref_squeeze %dma_wait3A_58 : memref<1x512xi32, #tpu.memory_space<vmem>> -> memref<512xi32, #tpu.memory_space<vmem>>
      %dma_wait3A_60 = arith.constant 0 : i32
      %dma_wait3A_61 = arith.constant 0 : i32
      %dma_wait3A_62 = tpu.memref_slice %arg2[%dma_wait3A_60, %dma_wait3A_61] : memref<100352x16xf32, #tpu.memory_space<hbm>> -> memref<100352x16xf32, #tpu.memory_space<hbm>>
      tpu.wait_indirect_dma semaphore(%arg11 : memref<!tpu.dma_semaphore, #tpu.memory_space<semaphore_mem>>) src(%dma_wait3A_62 : memref<100352x16xf32, #tpu.memory_space<hbm>>) dst(%dma_wait3A_56 : memref<512x16xf32, #tpu.memory_space<vmem>>)
      %dma_start3A_63 = arith.constant 0 : i32
      %dma_start3A_64 = arith.constant 0 : i32
      %dma_start3A_65 = arith.constant 0 : i32
      %dma_start3A_66 = arith.constant 0 : i32
      %dma_start3A_67 = tpu.memref_slice %arg10[%dma_start3A_63, %dma_start3A_65, %dma_start3A_66] : memref<2x512x16xf32, #tpu.memory_space<vmem>> -> memref<1x512x16xf32, #tpu.memory_space<vmem>>
      %dma_start3A_68 = tpu.memref_squeeze %dma_start3A_67 : memref<1x512x16xf32, #tpu.memory_space<vmem>> -> memref<512x16xf32, #tpu.memory_space<vmem>>
      %dma_start3A_69 = arith.constant 0 : i32
      %dma_start3A_70 = tpu.memref_slice %arg9[%dma_start3A_64, %dma_start3A_69] : memref<2x512xi32, #tpu.memory_space<vmem>> -> memref<1x512xi32, #tpu.memory_space<vmem>>
      %dma_start3A_71 = tpu.memref_squeeze %dma_start3A_70 : memref<1x512xi32, #tpu.memory_space<vmem>> -> memref<512xi32, #tpu.memory_space<vmem>>
      %dma_start3A_72 = arith.constant 0 : i32
      %dma_start3A_73 = arith.constant 0 : i32
      %dma_start3A_74 = tpu.memref_slice %arg7[%dma_start3A_72, %dma_start3A_73] : memref<100352x16xf32, #tpu.memory_space<vmem_shared>> -> memref<100352x16xf32, #tpu.memory_space<vmem_shared>>
      tpu.enqueue_indirect_dma source(%dma_start3A_68 : memref<512x16xf32, #tpu.memory_space<vmem>>) target(%dma_start3A_74 : memref<100352x16xf32, #tpu.memory_space<vmem_shared>>) offsets(%dma_start3A_71 : memref<512xi32, #tpu.memory_space<vmem>>) semaphore(%arg13 : memref<!tpu.dma_semaphore, #tpu.memory_space<semaphore_mem>>) {add = true}
      %dma_wait3A_75 = arith.constant 0 : i32
      %dma_wait3A_76 = arith.constant 0 : i32
      %dma_wait3A_77 = arith.constant 0 : i32
      %dma_wait3A_78 = arith.constant 0 : i32
      %dma_wait3A_79 = tpu.memref_slice %arg10[%dma_wait3A_75, %dma_wait3A_77, %dma_wait3A_78] : memref<2x512x16xf32, #tpu.memory_space<vmem>> -> memref<1x512x16xf32, #tpu.memory_space<vmem>>
      %dma_wait3A_80 = tpu.memref_squeeze %dma_wait3A_79 : memref<1x512x16xf32, #tpu.memory_space<vmem>> -> memref<512x16xf32, #tpu.memory_space<vmem>>
      %dma_wait3A_81 = arith.constant 0 : i32
      %dma_wait3A_82 = tpu.memref_slice %arg9[%dma_wait3A_76, %dma_wait3A_81] : memref<2x512xi32, #tpu.memory_space<vmem>> -> memref<1x512xi32, #tpu.memory_space<vmem>>
      %dma_wait3A_83 = tpu.memref_squeeze %dma_wait3A_82 : memref<1x512xi32, #tpu.memory_space<vmem>> -> memref<512xi32, #tpu.memory_space<vmem>>
      %dma_wait3A_84 = arith.constant 0 : i32
      %dma_wait3A_85 = arith.constant 0 : i32
      %dma_wait3A_86 = tpu.memref_slice %arg7[%dma_wait3A_84, %dma_wait3A_85] : memref<100352x16xf32, #tpu.memory_space<vmem_shared>> -> memref<100352x16xf32, #tpu.memory_space<vmem_shared>>
      tpu.wait_indirect_dma semaphore(%arg13 : memref<!tpu.dma_semaphore, #tpu.memory_space<semaphore_mem>>) src(%dma_wait3A_80 : memref<512x16xf32, #tpu.memory_space<vmem>>) dst(%dma_wait3A_86 : memref<100352x16xf32, #tpu.memory_space<vmem_shared>>)
      %lt3A = arith.constant 97 : i32
      %lt3A_87 = arith.cmpi slt, %scan3A_27, %lt3A : i32
      %convert_element_type3A = arith.extui %lt3A_87 : i1 to i32
      %cond3A = arith.constant 0 : i32
      %cond3A_88 = arith.cmpi ne, %convert_element_type3A, %cond3A : i32
      scf.if %cond3A_88 {
        %add3A_125 = arith.constant 2 : i32
        %add3A_126 = arith.addi %mul3A_29, %add3A_125 : i32
        %mul3A_127 = arith.constant 512 : i32
        %mul3A_128 = arith.muli %add3A_126, %mul3A_127 : i32
        %add3A_129 = arith.addi %mul3A_4, %mul3A_128 : i32
        %run_scoped3A_130 = arith.constant 0 : i32
        "tpu.region"() ({
          %run_scoped3A_147 = tpu.sem_alloc : memref<!tpu.dma_semaphore, #tpu.memory_space<semaphore_mem>>
          %dma_start3A_148 = arith.constant 0 : i32
          %dma_start3A_149 = tpu.memref_slice %arg8[%run_scoped3A_130, %dma_start3A_148] : memref<2x512xi32, #tpu.memory_space<vmem>> -> memref<1x512xi32, #tpu.memory_space<vmem>>
          %dma_start3A_150 = tpu.memref_squeeze %dma_start3A_149 : memref<1x512xi32, #tpu.memory_space<vmem>> -> memref<512xi32, #tpu.memory_space<vmem>>
          %dma_start3A_151 = tpu.memref_slice %arg3[%add3A_129] : memref<3211264xi32, #tpu.memory_space<hbm>> -> memref<512xi32, #tpu.memory_space<hbm>>
          %dma_start3A_152 = arith.constant 0 : i32
          %dma_start3A_153 = tpu.memref_slice %arg8[%run_scoped3A_130, %dma_start3A_152] : memref<2x512xi32, #tpu.memory_space<vmem>> -> memref<1x512xi32, #tpu.memory_space<vmem>>
          %dma_start3A_154 = tpu.memref_squeeze %dma_start3A_153 : memref<1x512xi32, #tpu.memory_space<vmem>> -> memref<512xi32, #tpu.memory_space<vmem>>
          %dma_start3A_155 = tpu.memref_slice %arg3[%add3A_129] : memref<3211264xi32, #tpu.memory_space<hbm>> -> memref<512xi32, #tpu.memory_space<hbm>>
          tpu.enqueue_dma source(%dma_start3A_155 : memref<512xi32, #tpu.memory_space<hbm>>) target(%dma_start3A_154 : memref<512xi32, #tpu.memory_space<vmem>>) target_semaphore(%run_scoped3A_147 : memref<!tpu.dma_semaphore, #tpu.memory_space<semaphore_mem>>)
          %dma_wait3A_156 = arith.constant 0 : i32
          %dma_wait3A_157 = tpu.memref_slice %arg8[%run_scoped3A_130, %dma_wait3A_156] : memref<2x512xi32, #tpu.memory_space<vmem>> -> memref<1x512xi32, #tpu.memory_space<vmem>>
          %dma_wait3A_158 = tpu.memref_squeeze %dma_wait3A_157 : memref<1x512xi32, #tpu.memory_space<vmem>> -> memref<512xi32, #tpu.memory_space<vmem>>
          %dma_wait3A_159 = tpu.memref_slice %arg3[%add3A_129] : memref<3211264xi32, #tpu.memory_space<hbm>> -> memref<512xi32, #tpu.memory_space<hbm>>
          %dma_wait3A_160 = arith.constant 0 : i32
          %dma_wait3A_161 = tpu.memref_slice %arg8[%run_scoped3A_130, %dma_wait3A_160] : memref<2x512xi32, #tpu.memory_space<vmem>> -> memref<1x512xi32, #tpu.memory_space<vmem>>
          %dma_wait3A_162 = tpu.memref_squeeze %dma_wait3A_161 : memref<1x512xi32, #tpu.memory_space<vmem>> -> memref<512xi32, #tpu.memory_space<vmem>>
          %dma_wait3A_163 = tpu.memref_slice %arg3[%add3A_129] : memref<3211264xi32, #tpu.memory_space<hbm>> -> memref<512xi32, #tpu.memory_space<hbm>>
          tpu.wait_dma2 semaphore(%run_scoped3A_147 : memref<!tpu.dma_semaphore, #tpu.memory_space<semaphore_mem>>) src(%dma_wait3A_163 : memref<512xi32, #tpu.memory_space<hbm>>) dst(%dma_wait3A_162 : memref<512xi32, #tpu.memory_space<vmem>>)
          tpu.yield
        }) : () -> ()
        %mul3A_131 = arith.constant 512 : i32
        %mul3A_132 = arith.muli %add3A_126, %mul3A_131 : i32
        %add3A_133 = arith.addi %mul3A_4, %mul3A_132 : i32
        %run_scoped3A_134 = arith.constant 0 : i32
        "tpu.region"() ({
          %run_scoped3A_147 = tpu.sem_alloc : memref<!tpu.dma_semaphore, #tpu.memory_space<semaphore_mem>>
          %dma_start3A_148 = arith.constant 0 : i32
          %dma_start3A_149 = tpu.memref_slice %arg9[%run_scoped3A_134, %dma_start3A_148] : memref<2x512xi32, #tpu.memory_space<vmem>> -> memref<1x512xi32, #tpu.memory_space<vmem>>
          %dma_start3A_150 = tpu.memref_squeeze %dma_start3A_149 : memref<1x512xi32, #tpu.memory_space<vmem>> -> memref<512xi32, #tpu.memory_space<vmem>>
          %dma_start3A_151 = tpu.memref_slice %arg4[%add3A_133] : memref<3211264xi32, #tpu.memory_space<hbm>> -> memref<512xi32, #tpu.memory_space<hbm>>
          %dma_start3A_152 = arith.constant 0 : i32
          %dma_start3A_153 = tpu.memref_slice %arg9[%run_scoped3A_134, %dma_start3A_152] : memref<2x512xi32, #tpu.memory_space<vmem>> -> memref<1x512xi32, #tpu.memory_space<vmem>>
          %dma_start3A_154 = tpu.memref_squeeze %dma_start3A_153 : memref<1x512xi32, #tpu.memory_space<vmem>> -> memref<512xi32, #tpu.memory_space<vmem>>
          %dma_start3A_155 = tpu.memref_slice %arg4[%add3A_133] : memref<3211264xi32, #tpu.memory_space<hbm>> -> memref<512xi32, #tpu.memory_space<hbm>>
          tpu.enqueue_dma source(%dma_start3A_155 : memref<512xi32, #tpu.memory_space<hbm>>) target(%dma_start3A_154 : memref<512xi32, #tpu.memory_space<vmem>>) target_semaphore(%run_scoped3A_147 : memref<!tpu.dma_semaphore, #tpu.memory_space<semaphore_mem>>)
          %dma_wait3A_156 = arith.constant 0 : i32
          %dma_wait3A_157 = tpu.memref_slice %arg9[%run_scoped3A_134, %dma_wait3A_156] : memref<2x512xi32, #tpu.memory_space<vmem>> -> memref<1x512xi32, #tpu.memory_space<vmem>>
          %dma_wait3A_158 = tpu.memref_squeeze %dma_wait3A_157 : memref<1x512xi32, #tpu.memory_space<vmem>> -> memref<512xi32, #tpu.memory_space<vmem>>
          %dma_wait3A_159 = tpu.memref_slice %arg4[%add3A_133] : memref<3211264xi32, #tpu.memory_space<hbm>> -> memref<512xi32, #tpu.memory_space<hbm>>
          %dma_wait3A_160 = arith.constant 0 : i32
          %dma_wait3A_161 = tpu.memref_slice %arg9[%run_scoped3A_134, %dma_wait3A_160] : memref<2x512xi32, #tpu.memory_space<vmem>> -> memref<1x512xi32, #tpu.memory_space<vmem>>
          %dma_wait3A_162 = tpu.memref_squeeze %dma_wait3A_161 : memref<1x512xi32, #tpu.memory_space<vmem>> -> memref<512xi32, #tpu.memory_space<vmem>>
          %dma_wait3A_163 = tpu.memref_slice %arg4[%add3A_133] : memref<3211264xi32, #tpu.memory_space<hbm>> -> memref<512xi32, #tpu.memory_space<hbm>>
          tpu.wait_dma2 semaphore(%run_scoped3A_147 : memref<!tpu.dma_semaphore, #tpu.memory_space<semaphore_mem>>) src(%dma_wait3A_163 : memref<512xi32, #tpu.memory_space<hbm>>) dst(%dma_wait3A_162 : memref<512xi32, #tpu.memory_space<vmem>>)
          tpu.yield
        }) : () -> ()
        %dma_start3A_135 = arith.constant 0 : i32
        %dma_start3A_136 = arith.constant 0 : i32
        %dma_start3A_137 = arith.constant 0 : i32
        %dma_start3A_138 = arith.constant 0 : i32
        %dma_start3A_139 = tpu.memref_slice %arg10[%dma_start3A_136, %dma_start3A_137, %dma_start3A_138] : memref<2x512x16xf32, #tpu.memory_space<vmem>> -> memref<1x512x16xf32, #tpu.memory_space<vmem>>
        %dma_start3A_140 = tpu.memref_squeeze %dma_start3A_139 : memref<1x512x16xf32, #tpu.memory_space<vmem>> -> memref<512x16xf32, #tpu.memory_space<vmem>>
        %dma_start3A_141 = arith.constant 0 : i32
        %dma_start3A_142 = tpu.memref_slice %arg8[%dma_start3A_135, %dma_start3A_141] : memref<2x512xi32, #tpu.memory_space<vmem>> -> memref<1x512xi32, #tpu.memory_space<vmem>>
        %dma_start3A_143 = tpu.memref_squeeze %dma_start3A_142 : memref<1x512xi32, #tpu.memory_space<vmem>> -> memref<512xi32, #tpu.memory_space<vmem>>
        %dma_start3A_144 = arith.constant 0 : i32
        %dma_start3A_145 = arith.constant 0 : i32
        %dma_start3A_146 = tpu.memref_slice %arg2[%dma_start3A_144, %dma_start3A_145] : memref<100352x16xf32, #tpu.memory_space<hbm>> -> memref<100352x16xf32, #tpu.memory_space<hbm>>
        tpu.enqueue_indirect_dma source(%dma_start3A_146 : memref<100352x16xf32, #tpu.memory_space<hbm>>) target(%dma_start3A_140 : memref<512x16xf32, #tpu.memory_space<vmem>>) offsets(%dma_start3A_143 : memref<512xi32, #tpu.memory_space<vmem>>) semaphore(%arg11 : memref<!tpu.dma_semaphore, #tpu.memory_space<semaphore_mem>>)
      } else {
      }
      %dma_wait3A_89 = arith.constant 1 : i32
      %dma_wait3A_90 = arith.constant 1 : i32
      %dma_wait3A_91 = arith.constant 0 : i32
      %dma_wait3A_92 = arith.constant 0 : i32
      %dma_wait3A_93 = tpu.memref_slice %arg10[%dma_wait3A_90, %dma_wait3A_91, %dma_wait3A_92] : memref<2x512x16xf32, #tpu.memory_space<vmem>> -> memref<1x512x16xf32, #tpu.memory_space<vmem>>
      %dma_wait3A_94 = tpu.memref_squeeze %dma_wait3A_93 : memref<1x512x16xf32, #tpu.memory_space<vmem>> -> memref<512x16xf32, #tpu.memory_space<vmem>>
      %dma_wait3A_95 = arith.constant 0 : i32
      %dma_wait3A_96 = tpu.memref_slice %arg8[%dma_wait3A_89, %dma_wait3A_95] : memref<2x512xi32, #tpu.memory_space<vmem>> -> memref<1x512xi32, #tpu.memory_space<vmem>>
      %dma_wait3A_97 = tpu.memref_squeeze %dma_wait3A_96 : memref<1x512xi32, #tpu.memory_space<vmem>> -> memref<512xi32, #tpu.memory_space<vmem>>
      %dma_wait3A_98 = arith.constant 0 : i32
      %dma_wait3A_99 = arith.constant 0 : i32
      %dma_wait3A_100 = tpu.memref_slice %arg2[%dma_wait3A_98, %dma_wait3A_99] : memref<100352x16xf32, #tpu.memory_space<hbm>> -> memref<100352x16xf32, #tpu.memory_space<hbm>>
      tpu.wait_indirect_dma semaphore(%arg12 : memref<!tpu.dma_semaphore, #tpu.memory_space<semaphore_mem>>) src(%dma_wait3A_100 : memref<100352x16xf32, #tpu.memory_space<hbm>>) dst(%dma_wait3A_94 : memref<512x16xf32, #tpu.memory_space<vmem>>)
      %dma_start3A_101 = arith.constant 1 : i32
      %dma_start3A_102 = arith.constant 1 : i32
      %dma_start3A_103 = arith.constant 0 : i32
      %dma_start3A_104 = arith.constant 0 : i32
      %dma_start3A_105 = tpu.memref_slice %arg10[%dma_start3A_101, %dma_start3A_103, %dma_start3A_104] : memref<2x512x16xf32, #tpu.memory_space<vmem>> -> memref<1x512x16xf32, #tpu.memory_space<vmem>>
      %dma_start3A_106 = tpu.memref_squeeze %dma_start3A_105 : memref<1x512x16xf32, #tpu.memory_space<vmem>> -> memref<512x16xf32, #tpu.memory_space<vmem>>
      %dma_start3A_107 = arith.constant 0 : i32
      %dma_start3A_108 = tpu.memref_slice %arg9[%dma_start3A_102, %dma_start3A_107] : memref<2x512xi32, #tpu.memory_space<vmem>> -> memref<1x512xi32, #tpu.memory_space<vmem>>
      %dma_start3A_109 = tpu.memref_squeeze %dma_start3A_108 : memref<1x512xi32, #tpu.memory_space<vmem>> -> memref<512xi32, #tpu.memory_space<vmem>>
      %dma_start3A_110 = arith.constant 0 : i32
      %dma_start3A_111 = arith.constant 0 : i32
      %dma_start3A_112 = tpu.memref_slice %arg7[%dma_start3A_110, %dma_start3A_111] : memref<100352x16xf32, #tpu.memory_space<vmem_shared>> -> memref<100352x16xf32, #tpu.memory_space<vmem_shared>>
      tpu.enqueue_indirect_dma source(%dma_start3A_106 : memref<512x16xf32, #tpu.memory_space<vmem>>) target(%dma_start3A_112 : memref<100352x16xf32, #tpu.memory_space<vmem_shared>>) offsets(%dma_start3A_109 : memref<512xi32, #tpu.memory_space<vmem>>) semaphore(%arg14 : memref<!tpu.dma_semaphore, #tpu.memory_space<semaphore_mem>>) {add = true}
      %dma_wait3A_113 = arith.constant 1 : i32
      %dma_wait3A_114 = arith.constant 1 : i32
      %dma_wait3A_115 = arith.constant 0 : i32
      %dma_wait3A_116 = arith.constant 0 : i32
      %dma_wait3A_117 = tpu.memref_slice %arg10[%dma_wait3A_113, %dma_wait3A_115, %dma_wait3A_116] : memref<2x512x16xf32, #tpu.memory_space<vmem>> -> memref<1x512x16xf32, #tpu.memory_space<vmem>>
      %dma_wait3A_118 = tpu.memref_squeeze %dma_wait3A_117 : memref<1x512x16xf32, #tpu.memory_space<vmem>> -> memref<512x16xf32, #tpu.memory_space<vmem>>
      %dma_wait3A_119 = arith.constant 0 : i32
      %dma_wait3A_120 = tpu.memref_slice %arg9[%dma_wait3A_114, %dma_wait3A_119] : memref<2x512xi32, #tpu.memory_space<vmem>> -> memref<1x512xi32, #tpu.memory_space<vmem>>
      %dma_wait3A_121 = tpu.memref_squeeze %dma_wait3A_120 : memref<1x512xi32, #tpu.memory_space<vmem>> -> memref<512xi32, #tpu.memory_space<vmem>>
      %dma_wait3A_122 = arith.constant 0 : i32
      %dma_wait3A_123 = arith.constant 0 : i32
      %dma_wait3A_124 = tpu.memref_slice %arg7[%dma_wait3A_122, %dma_wait3A_123] : memref<100352x16xf32, #tpu.memory_space<vmem_shared>> -> memref<100352x16xf32, #tpu.memory_space<vmem_shared>>
      tpu.wait_indirect_dma semaphore(%arg14 : memref<!tpu.dma_semaphore, #tpu.memory_space<semaphore_mem>>) src(%dma_wait3A_118 : memref<512x16xf32, #tpu.memory_space<vmem>>) dst(%dma_wait3A_124 : memref<100352x16xf32, #tpu.memory_space<vmem_shared>>)
    }
    %scan3A_25 = arith.constant 98 : i32
    %barrier3A_26 = arith.constant 0 : index
    tpu.barrier barrier_id(%barrier3A_26)
    "tpu.region"() ({
      %run_scoped3A_27 = tpu.sem_alloc : memref<!tpu.dma_semaphore, #tpu.memory_space<semaphore_mem>>
      %dma_start3A_28 = arith.constant 0 : i32
      %dma_start3A_29 = tpu.memref_slice %arg6[%arg0, %mul3A_2, %dma_start3A_28] : memref<2x100352x16xf32, #tpu.memory_space<hbm>> -> memref<1x6272x16xf32, #tpu.memory_space<hbm>>
      %dma_start3A_30 = tpu.memref_squeeze %dma_start3A_29 : memref<1x6272x16xf32, #tpu.memory_space<hbm>> -> memref<6272x16xf32, #tpu.memory_space<hbm>>
      %dma_start3A_31 = arith.constant 0 : i32
      %dma_start3A_32 = tpu.memref_slice %arg7[%mul3A_2, %dma_start3A_31] : memref<100352x16xf32, #tpu.memory_space<vmem_shared>> -> memref<6272x16xf32, #tpu.memory_space<vmem_shared>>
      tpu.enqueue_dma source(%dma_start3A_32 : memref<6272x16xf32, #tpu.memory_space<vmem_shared>>) target(%dma_start3A_30 : memref<6272x16xf32, #tpu.memory_space<hbm>>) target_semaphore(%run_scoped3A_27 : memref<!tpu.dma_semaphore, #tpu.memory_space<semaphore_mem>>)
      %dma_wait3A = arith.constant 0 : i32
      %dma_wait3A_33 = tpu.memref_slice %arg6[%arg0, %mul3A_2, %dma_wait3A] : memref<2x100352x16xf32, #tpu.memory_space<hbm>> -> memref<1x6272x16xf32, #tpu.memory_space<hbm>>
      %dma_wait3A_34 = tpu.memref_squeeze %dma_wait3A_33 : memref<1x6272x16xf32, #tpu.memory_space<hbm>> -> memref<6272x16xf32, #tpu.memory_space<hbm>>
      %dma_wait3A_35 = arith.constant 0 : i32
      %dma_wait3A_36 = tpu.memref_slice %arg7[%mul3A_2, %dma_wait3A_35] : memref<100352x16xf32, #tpu.memory_space<vmem_shared>> -> memref<6272x16xf32, #tpu.memory_space<vmem_shared>>
      tpu.wait_dma2 semaphore(%run_scoped3A_27 : memref<!tpu.dma_semaphore, #tpu.memory_space<semaphore_mem>>) src(%dma_wait3A_36 : memref<6272x16xf32, #tpu.memory_space<vmem_shared>>) dst(%dma_wait3A_34 : memref<6272x16xf32, #tpu.memory_space<hbm>>)
      tpu.yield
    }) : () -> ()
    return
  }
}

module attributes {stable_mosaic.version = 14 : i64} {
  func.func @_msg_body(%arg0: i32, %arg1: memref<448x24xf32, #tpu.memory_space<vmem>>, %arg2: memref<24x128xf32, #tpu.memory_space<vmem>>, %arg3: memref<1x128xf32, #tpu.memory_space<vmem>>, %arg4: memref<448x128xf32, #tpu.memory_space<vmem>>) attributes {dimension_semantics = [#tpu.dimension_semantics<arbitrary>], iteration_bounds = array<i64: 28>, scalar_prefetch = 0 : i64, scratch_operands = 0 : i64, tpu.core_type = #tpu.core_type<tc>, window_params = [{transform_indices = @transform_0, window_bounds = array<i64: 448, 24>}, {pipeline_mode = #tpu.pipeline_mode<synchronous>, transform_indices = @transform_1, window_bounds = array<i64: 24, 128>}, {pipeline_mode = #tpu.pipeline_mode<synchronous>, transform_indices = @transform_2, window_bounds = array<i64: 1, 128>}, {transform_indices = @transform_3, window_bounds = array<i64: 448, 128>}]} {
    %get3A = arith.constant 0 : index
    %get3A_0 = arith.constant 0 : index
    %get3A_1 = vector.load %arg1[%get3A, %get3A_0] : memref<448x24xf32, #tpu.memory_space<vmem>>, vector<448x24xf32>
    %get3A_2 = arith.constant 0 : index
    %get3A_3 = arith.constant 0 : index
    %get3A_4 = vector.load %arg2[%get3A_2, %get3A_3] : memref<24x128xf32, #tpu.memory_space<vmem>>, vector<24x128xf32>
    %dot_general3A = arith.constant dense<0.000000e+00> : vector<448x128xf32>
    %dot_general3A_5 = tpu.matmul %get3A_1, %get3A_4, %dot_general3A {dimension_numbers = #tpu.dot_dimension_numbers<[1], [0], [0], [1], [0, 0, 1, 1], [], []>, transpose_lhs_hint = false} : vector<448x24xf32>, vector<24x128xf32>, vector<448x128xf32> -> vector<448x128xf32>
    %get3A_6 = arith.constant 0 : index
    %get3A_7 = arith.constant 0 : index
    %get3A_8 = vector.load %arg3[%get3A_6, %get3A_7] : memref<1x128xf32, #tpu.memory_space<vmem>>, vector<1x128xf32>
    %add3A = vector.broadcast %get3A_8 : vector<1x128xf32> to vector<448x128xf32>
    %add3A_9 = arith.addf %dot_general3A_5, %add3A : vector<448x128xf32>
    %max3A = arith.constant 0.000000e+00 : f32
    %max3A_10 = vector.broadcast %max3A : f32 to vector<448x128xf32>
    %max3A_11 = arith.maximumf %add3A_9, %max3A_10 : vector<448x128xf32>
    %swap3A = arith.constant 0 : index
    %swap3A_12 = arith.constant 0 : index
    %swap3A_13 = vector.load %arg4[%swap3A, %swap3A_12] : memref<448x128xf32, #tpu.memory_space<vmem>>, vector<448x128xf32>
    tpu.vector_store %arg4[%swap3A, %swap3A_12], %max3A_11 {strides = array<i32>} : memref<448x128xf32, #tpu.memory_space<vmem>>, vector<448x128xf32>,
    return
  }
  func.func @transform_0(%arg0: i32) -> (i32, i32) {
    %c0_i32 = arith.constant 0 : i32
    %c0_i32_0 = arith.constant 0 : i32
    return %arg0, %c0_i32 : i32, i32
  }
  func.func @transform_1(%arg0: i32) -> (i32, i32) {
    %c0_i32 = arith.constant 0 : i32
    %c0_i32_0 = arith.constant 0 : i32
    %c0_i32_1 = arith.constant 0 : i32
    return %c0_i32, %c0_i32_0 : i32, i32
  }
  func.func @transform_2(%arg0: i32) -> (i32, i32) {
    %c0_i32 = arith.constant 0 : i32
    %c0_i32_0 = arith.constant 0 : i32
    %c0_i32_1 = arith.constant 0 : i32
    return %c0_i32, %c0_i32_0 : i32, i32
  }
  func.func @transform_3(%arg0: i32) -> (i32, i32) {
    %c0_i32 = arith.constant 0 : i32
    %c0_i32_0 = arith.constant 0 : i32
    return %arg0, %c0_i32 : i32, i32
  }
}

module attributes {stable_mosaic.version = 14 : i64} {
  func.func @_upd1_body(%arg0: i32, %arg1: memref<448x24xf32, #tpu.memory_space<vmem>>, %arg2: memref<2x448x128xf32, #tpu.memory_space<vmem>>, %arg3: memref<2x448x8xf32, #tpu.memory_space<vmem>>, %arg4: memref<8x128xf32, #tpu.memory_space<vmem>>, %arg5: memref<24x128xf32, #tpu.memory_space<vmem>>, %arg6: memref<128x128xf32, #tpu.memory_space<vmem>>, %arg7: memref<1x128xf32, #tpu.memory_space<vmem>>, %arg8: memref<128x128xf32, #tpu.memory_space<vmem>>, %arg9: memref<128x128xf32, #tpu.memory_space<vmem>>, %arg10: memref<1x128xf32, #tpu.memory_space<vmem>>, %arg11: memref<448x128xf32, #tpu.memory_space<vmem>>, %arg12: memref<448x128xf32, #tpu.memory_space<vmem>>) attributes {dimension_semantics = [#tpu.dimension_semantics<arbitrary>], iteration_bounds = array<i64: 28>, scalar_prefetch = 0 : i64, scratch_operands = 0 : i64, tpu.core_type = #tpu.core_type<tc>, window_params = [{transform_indices = @transform_0, window_bounds = array<i64: 448, 24>}, {transform_indices = @transform_1, window_bounds = array<i64: 2, 448, 128>}, {transform_indices = @transform_2, window_bounds = array<i64: 2, 448, 8>}, {pipeline_mode = #tpu.pipeline_mode<synchronous>, transform_indices = @transform_3, window_bounds = array<i64: 8, 128>}, {pipeline_mode = #tpu.pipeline_mode<synchronous>, transform_indices = @transform_4, window_bounds = array<i64: 24, 128>}, {pipeline_mode = #tpu.pipeline_mode<synchronous>, transform_indices = @transform_5, window_bounds = array<i64: 128, 128>}, {pipeline_mode = #tpu.pipeline_mode<synchronous>, transform_indices = @transform_6, window_bounds = array<i64: 1, 128>}, {pipeline_mode = #tpu.pipeline_mode<synchronous>, transform_indices = @transform_7, window_bounds = array<i64: 128, 128>}, {pipeline_mode = #tpu.pipeline_mode<synchronous>, transform_indices = @transform_8, window_bounds = array<i64: 128, 128>}, {pipeline_mode = #tpu.pipeline_mode<synchronous>, transform_indices = @transform_9, window_bounds = array<i64: 1, 128>}, {transform_indices = @transform_10, window_bounds = array<i64: 448, 128>}, {transform_indices = @transform_11, window_bounds = array<i64: 448, 128>}]} {
    %get3A = arith.constant 0 : index
    %get3A_0 = arith.constant 0 : index
    %get3A_1 = arith.constant 0 : index
    %get3A_2 = vector.load %arg3[%get3A, %get3A_0, %get3A_1] : memref<2x448x8xf32, #tpu.memory_space<vmem>>, vector<1x448x8xf32>
    %get3A_3 = vector.shape_cast %get3A_2 : vector<1x448x8xf32> to vector<448x8xf32>
    %get3A_4 = arith.constant 1 : index
    %get3A_5 = arith.constant 0 : index
    %get3A_6 = arith.constant 0 : index
    %get3A_7 = vector.load %arg3[%get3A_4, %get3A_5, %get3A_6] : memref<2x448x8xf32, #tpu.memory_space<vmem>>, vector<1x448x8xf32>
    %get3A_8 = vector.shape_cast %get3A_7 : vector<1x448x8xf32> to vector<448x8xf32>
    %add3A = arith.addf %get3A_3, %get3A_8 : vector<448x8xf32>
    %get3A_9 = arith.constant 0 : index
    %get3A_10 = arith.constant 0 : index
    %get3A_11 = vector.load %arg4[%get3A_9, %get3A_10] : memref<8x128xf32, #tpu.memory_space<vmem>>, vector<8x128xf32>
    %dot_general3A = arith.constant dense<0.000000e+00> : vector<448x128xf32>
    %dot_general3A_12 = tpu.matmul %add3A, %get3A_11, %dot_general3A {dimension_numbers = #tpu.dot_dimension_numbers<[1], [0], [0], [1], [0, 0, 1, 1], [], []>, transpose_lhs_hint = false} : vector<448x8xf32>, vector<8x128xf32>, vector<448x128xf32> -> vector<448x128xf32>
    %get3A_13 = arith.constant 0 : index
    %get3A_14 = arith.constant 0 : index
    %get3A_15 = arith.constant 0 : index
    %get3A_16 = vector.load %arg2[%get3A_13, %get3A_14, %get3A_15] : memref<2x448x128xf32, #tpu.memory_space<vmem>>, vector<1x448x128xf32>
    %get3A_17 = vector.shape_cast %get3A_16 : vector<1x448x128xf32> to vector<448x128xf32>
    %get3A_18 = arith.constant 1 : index
    %get3A_19 = arith.constant 0 : index
    %get3A_20 = arith.constant 0 : index
    %get3A_21 = vector.load %arg2[%get3A_18, %get3A_19, %get3A_20] : memref<2x448x128xf32, #tpu.memory_space<vmem>>, vector<1x448x128xf32>
    %get3A_22 = vector.shape_cast %get3A_21 : vector<1x448x128xf32> to vector<448x128xf32>
    %add3A_23 = arith.addf %get3A_17, %get3A_22 : vector<448x128xf32>
    %max3A = arith.constant 1.000000e+00 : f32
    %max3A_24 = vector.broadcast %max3A : f32 to vector<448x128xf32>
    %max3A_25 = arith.maximumf %dot_general3A_12, %max3A_24 : vector<448x128xf32>
    %div3A = arith.divf %add3A_23, %max3A_25 : vector<448x128xf32>
    %get3A_26 = arith.constant 0 : index
    %get3A_27 = arith.constant 0 : index
    %get3A_28 = vector.load %arg1[%get3A_26, %get3A_27] : memref<448x24xf32, #tpu.memory_space<vmem>>, vector<448x24xf32>
    %get3A_29 = arith.constant 0 : index
    %get3A_30 = arith.constant 0 : index
    %get3A_31 = vector.load %arg5[%get3A_29, %get3A_30] : memref<24x128xf32, #tpu.memory_space<vmem>>, vector<24x128xf32>
    %dot_general3A_32 = arith.constant dense<0.000000e+00> : vector<448x128xf32>
    %dot_general3A_33 = tpu.matmul %get3A_28, %get3A_31, %dot_general3A_32 {dimension_numbers = #tpu.dot_dimension_numbers<[1], [0], [0], [1], [0, 0, 1, 1], [], []>, transpose_lhs_hint = false} : vector<448x24xf32>, vector<24x128xf32>, vector<448x128xf32> -> vector<448x128xf32>
    %get3A_34 = arith.constant 0 : index
    %get3A_35 = arith.constant 0 : index
    %get3A_36 = vector.load %arg6[%get3A_34, %get3A_35] : memref<128x128xf32, #tpu.memory_space<vmem>>, vector<128x128xf32>
    %dot_general3A_37 = arith.constant dense<0.000000e+00> : vector<448x128xf32>
    %dot_general3A_38 = tpu.matmul %div3A, %get3A_36, %dot_general3A_37 {dimension_numbers = #tpu.dot_dimension_numbers<[1], [0], [0], [1], [0, 0, 1, 1], [], []>, transpose_lhs_hint = false} : vector<448x128xf32>, vector<128x128xf32>, vector<448x128xf32> -> vector<448x128xf32>
    %add3A_39 = arith.addf %dot_general3A_33, %dot_general3A_38 : vector<448x128xf32>
    %get3A_40 = arith.constant 0 : index
    %get3A_41 = arith.constant 0 : index
    %get3A_42 = vector.load %arg7[%get3A_40, %get3A_41] : memref<1x128xf32, #tpu.memory_space<vmem>>, vector<1x128xf32>
    %add3A_43 = vector.broadcast %get3A_42 : vector<1x128xf32> to vector<448x128xf32>
    %add3A_44 = arith.addf %add3A_39, %add3A_43 : vector<448x128xf32>
    %max3A_45 = arith.constant 0.000000e+00 : f32
    %max3A_46 = vector.broadcast %max3A_45 : f32 to vector<448x128xf32>
    %max3A_47 = arith.maximumf %add3A_44, %max3A_46 : vector<448x128xf32>
    %mul3A = arith.mulf %max3A_47, %max3A_47 : vector<448x128xf32>
    %get3A_48 = arith.constant 0 : index
    %get3A_49 = arith.constant 0 : index
    %get3A_50 = vector.load %arg8[%get3A_48, %get3A_49] : memref<128x128xf32, #tpu.memory_space<vmem>>, vector<128x128xf32>
    %dot_general3A_51 = arith.constant dense<0.000000e+00> : vector<448x128xf32>
    %dot_general3A_52 = tpu.matmul %mul3A, %get3A_50, %dot_general3A_51 {dimension_numbers = #tpu.dot_dimension_numbers<[1], [0], [0], [1], [0, 0, 1, 1], [], []>, transpose_lhs_hint = false} : vector<448x128xf32>, vector<128x128xf32>, vector<448x128xf32> -> vector<448x128xf32>
    %sqrt3A = math.sqrt %dot_general3A_52 : vector<448x128xf32>
    %max3A_53 = arith.constant 9.99999996E-13 : f32
    %max3A_54 = vector.broadcast %max3A_53 : f32 to vector<448x128xf32>
    %max3A_55 = arith.maximumf %sqrt3A, %max3A_54 : vector<448x128xf32>
    %div3A_56 = arith.divf %max3A_47, %max3A_55 : vector<448x128xf32>
    %swap3A = arith.constant 0 : index
    %swap3A_57 = arith.constant 0 : index
    %swap3A_58 = vector.load %arg11[%swap3A, %swap3A_57] : memref<448x128xf32, #tpu.memory_space<vmem>>, vector<448x128xf32>
    tpu.vector_store %arg11[%swap3A, %swap3A_57], %div3A_56 {strides = array<i32>} : memref<448x128xf32, #tpu.memory_space<vmem>>, vector<448x128xf32>,
    %get3A_59 = arith.constant 0 : index
    %get3A_60 = arith.constant 0 : index
    %get3A_61 = vector.load %arg9[%get3A_59, %get3A_60] : memref<128x128xf32, #tpu.memory_space<vmem>>, vector<128x128xf32>
    %dot_general3A_62 = arith.constant dense<0.000000e+00> : vector<448x128xf32>
    %dot_general3A_63 = tpu.matmul %div3A_56, %get3A_61, %dot_general3A_62 {dimension_numbers = #tpu.dot_dimension_numbers<[1], [0], [0], [1], [0, 0, 1, 1], [], []>, transpose_lhs_hint = false} : vector<448x128xf32>, vector<128x128xf32>, vector<448x128xf32> -> vector<448x128xf32>
    %get3A_64 = arith.constant 0 : index
    %get3A_65 = arith.constant 0 : index
    %get3A_66 = vector.load %arg10[%get3A_64, %get3A_65] : memref<1x128xf32, #tpu.memory_space<vmem>>, vector<1x128xf32>
    %add3A_67 = vector.broadcast %get3A_66 : vector<1x128xf32> to vector<448x128xf32>
    %add3A_68 = arith.addf %dot_general3A_63, %add3A_67 : vector<448x128xf32>
    %max3A_69 = arith.constant 0.000000e+00 : f32
    %max3A_70 = vector.broadcast %max3A_69 : f32 to vector<448x128xf32>
    %max3A_71 = arith.maximumf %add3A_68, %max3A_70 : vector<448x128xf32>
    %swap3A_72 = arith.constant 0 : index
    %swap3A_73 = arith.constant 0 : index
    %swap3A_74 = vector.load %arg12[%swap3A_72, %swap3A_73] : memref<448x128xf32, #tpu.memory_space<vmem>>, vector<448x128xf32>
    tpu.vector_store %arg12[%swap3A_72, %swap3A_73], %max3A_71 {strides = array<i32>} : memref<448x128xf32, #tpu.memory_space<vmem>>, vector<448x128xf32>,
    return
  }
  func.func @transform_0(%arg0: i32) -> (i32, i32) {
    %c0_i32 = arith.constant 0 : i32
    %c0_i32_0 = arith.constant 0 : i32
    return %arg0, %c0_i32 : i32, i32
  }
  func.func @transform_1(%arg0: i32) -> (i32, i32, i32) {
    %c0_i32 = arith.constant 0 : i32
    %c0_i32_0 = arith.constant 0 : i32
    %c0_i32_1 = arith.constant 0 : i32
    return %c0_i32, %arg0, %c0_i32_0 : i32, i32, i32
  }
  func.func @transform_2(%arg0: i32) -> (i32, i32, i32) {
    %c0_i32 = arith.constant 0 : i32
    %c0_i32_0 = arith.constant 0 : i32
    %c0_i32_1 = arith.constant 0 : i32
    return %c0_i32, %arg0, %c0_i32_0 : i32, i32, i32
  }
  func.func @transform_3(%arg0: i32) -> (i32, i32) {
    %c0_i32 = arith.constant 0 : i32
    %c0_i32_0 = arith.constant 0 : i32
    %c0_i32_1 = arith.constant 0 : i32
    return %c0_i32, %c0_i32_0 : i32, i32
  }
  func.func @transform_4(%arg0: i32) -> (i32, i32) {
    %c0_i32 = arith.constant 0 : i32
    %c0_i32_0 = arith.constant 0 : i32
    %c0_i32_1 = arith.constant 0 : i32
    return %c0_i32, %c0_i32_0 : i32, i32
  }
  func.func @transform_5(%arg0: i32) -> (i32, i32) {
    %c0_i32 = arith.constant 0 : i32
    %c0_i32_0 = arith.constant 0 : i32
    %c0_i32_1 = arith.constant 0 : i32
    return %c0_i32, %c0_i32_0 : i32, i32
  }
  func.func @transform_6(%arg0: i32) -> (i32, i32) {
    %c0_i32 = arith.constant 0 : i32
    %c0_i32_0 = arith.constant 0 : i32
    %c0_i32_1 = arith.constant 0 : i32
    return %c0_i32, %c0_i32_0 : i32, i32
  }
  func.func @transform_7(%arg0: i32) -> (i32, i32) {
    %c0_i32 = arith.constant 0 : i32
    %c0_i32_0 = arith.constant 0 : i32
    %c0_i32_1 = arith.constant 0 : i32
    return %c0_i32, %c0_i32_0 : i32, i32
  }
  func.func @transform_8(%arg0: i32) -> (i32, i32) {
    %c0_i32 = arith.constant 0 : i32
    %c0_i32_0 = arith.constant 0 : i32
    %c0_i32_1 = arith.constant 0 : i32
    return %c0_i32, %c0_i32_0 : i32, i32
  }
  func.func @transform_9(%arg0: i32) -> (i32, i32) {
    %c0_i32 = arith.constant 0 : i32
    %c0_i32_0 = arith.constant 0 : i32
    %c0_i32_1 = arith.constant 0 : i32
    return %c0_i32, %c0_i32_0 : i32, i32
  }
  func.func @transform_10(%arg0: i32) -> (i32, i32) {
    %c0_i32 = arith.constant 0 : i32
    %c0_i32_0 = arith.constant 0 : i32
    return %arg0, %c0_i32 : i32, i32
  }
  func.func @transform_11(%arg0: i32) -> (i32, i32) {
    %c0_i32 = arith.constant 0 : i32
    %c0_i32_0 = arith.constant 0 : i32
    return %arg0, %c0_i32 : i32, i32
  }
}

module attributes {stable_mosaic.version = 14 : i64} {
  func.func @_upd2_body(%arg0: i32, %arg1: memref<448x128xf32, #tpu.memory_space<vmem>>, %arg2: memref<2x448x128xf32, #tpu.memory_space<vmem>>, %arg3: memref<2x448x8xf32, #tpu.memory_space<vmem>>, %arg4: memref<8x128xf32, #tpu.memory_space<vmem>>, %arg5: memref<128x128xf32, #tpu.memory_space<vmem>>, %arg6: memref<128x128xf32, #tpu.memory_space<vmem>>, %arg7: memref<1x128xf32, #tpu.memory_space<vmem>>, %arg8: memref<128x128xf32, #tpu.memory_space<vmem>>, %arg9: memref<1x128xf32, #tpu.memory_space<vmem>>, %arg10: memref<128x8xf32, #tpu.memory_space<vmem>>, %arg11: memref<1x8xf32, #tpu.memory_space<vmem>>, %arg12: memref<448x8xf32, #tpu.memory_space<vmem>>) attributes {dimension_semantics = [#tpu.dimension_semantics<arbitrary>], iteration_bounds = array<i64: 28>, scalar_prefetch = 0 : i64, scratch_operands = 0 : i64, tpu.core_type = #tpu.core_type<tc>, window_params = [{transform_indices = @transform_0, window_bounds = array<i64: 448, 128>}, {transform_indices = @transform_1, window_bounds = array<i64: 2, 448, 128>}, {transform_indices = @transform_2, window_bounds = array<i64: 2, 448, 8>}, {pipeline_mode = #tpu.pipeline_mode<synchronous>, transform_indices = @transform_3, window_bounds = array<i64: 8, 128>}, {pipeline_mode = #tpu.pipeline_mode<synchronous>, transform_indices = @transform_4, window_bounds = array<i64: 128, 128>}, {pipeline_mode = #tpu.pipeline_mode<synchronous>, transform_indices = @transform_5, window_bounds = array<i64: 128, 128>}, {pipeline_mode = #tpu.pipeline_mode<synchronous>, transform_indices = @transform_6, window_bounds = array<i64: 1, 128>}, {pipeline_mode = #tpu.pipeline_mode<synchronous>, transform_indices = @transform_7, window_bounds = array<i64: 128, 128>}, {pipeline_mode = #tpu.pipeline_mode<synchronous>, transform_indices = @transform_8, window_bounds = array<i64: 1, 128>}, {pipeline_mode = #tpu.pipeline_mode<synchronous>, transform_indices = @transform_9, window_bounds = array<i64: 128, 8>}, {pipeline_mode = #tpu.pipeline_mode<synchronous>, transform_indices = @transform_10, window_bounds = array<i64: 1, 8>}, {transform_indices = @transform_11, window_bounds = array<i64: 448, 8>}]} {
    %get3A = arith.constant 0 : index
    %get3A_0 = arith.constant 0 : index
    %get3A_1 = arith.constant 0 : index
    %get3A_2 = vector.load %arg3[%get3A, %get3A_0, %get3A_1] : memref<2x448x8xf32, #tpu.memory_space<vmem>>, vector<1x448x8xf32>
    %get3A_3 = vector.shape_cast %get3A_2 : vector<1x448x8xf32> to vector<448x8xf32>
    %get3A_4 = arith.constant 1 : index
    %get3A_5 = arith.constant 0 : index
    %get3A_6 = arith.constant 0 : index
    %get3A_7 = vector.load %arg3[%get3A_4, %get3A_5, %get3A_6] : memref<2x448x8xf32, #tpu.memory_space<vmem>>, vector<1x448x8xf32>
    %get3A_8 = vector.shape_cast %get3A_7 : vector<1x448x8xf32> to vector<448x8xf32>
    %add3A = arith.addf %get3A_3, %get3A_8 : vector<448x8xf32>
    %get3A_9 = arith.constant 0 : index
    %get3A_10 = arith.constant 0 : index
    %get3A_11 = vector.load %arg4[%get3A_9, %get3A_10] : memref<8x128xf32, #tpu.memory_space<vmem>>, vector<8x128xf32>
    %dot_general3A = arith.constant dense<0.000000e+00> : vector<448x128xf32>
    %dot_general3A_12 = tpu.matmul %add3A, %get3A_11, %dot_general3A {dimension_numbers = #tpu.dot_dimension_numbers<[1], [0], [0], [1], [0, 0, 1, 1], [], []>, transpose_lhs_hint = false} : vector<448x8xf32>, vector<8x128xf32>, vector<448x128xf32> -> vector<448x128xf32>
    %get3A_13 = arith.constant 0 : index
    %get3A_14 = arith.constant 0 : index
    %get3A_15 = arith.constant 0 : index
    %get3A_16 = vector.load %arg2[%get3A_13, %get3A_14, %get3A_15] : memref<2x448x128xf32, #tpu.memory_space<vmem>>, vector<1x448x128xf32>
    %get3A_17 = vector.shape_cast %get3A_16 : vector<1x448x128xf32> to vector<448x128xf32>
    %get3A_18 = arith.constant 1 : index
    %get3A_19 = arith.constant 0 : index
    %get3A_20 = arith.constant 0 : index
    %get3A_21 = vector.load %arg2[%get3A_18, %get3A_19, %get3A_20] : memref<2x448x128xf32, #tpu.memory_space<vmem>>, vector<1x448x128xf32>
    %get3A_22 = vector.shape_cast %get3A_21 : vector<1x448x128xf32> to vector<448x128xf32>
    %add3A_23 = arith.addf %get3A_17, %get3A_22 : vector<448x128xf32>
    %max3A = arith.constant 1.000000e+00 : f32
    %max3A_24 = vector.broadcast %max3A : f32 to vector<448x128xf32>
    %max3A_25 = arith.maximumf %dot_general3A_12, %max3A_24 : vector<448x128xf32>
    %div3A = arith.divf %add3A_23, %max3A_25 : vector<448x128xf32>
    %get3A_26 = arith.constant 0 : index
    %get3A_27 = arith.constant 0 : index
    %get3A_28 = vector.load %arg1[%get3A_26, %get3A_27] : memref<448x128xf32, #tpu.memory_space<vmem>>, vector<448x128xf32>
    %get3A_29 = arith.constant 0 : index
    %get3A_30 = arith.constant 0 : index
    %get3A_31 = vector.load %arg5[%get3A_29, %get3A_30] : memref<128x128xf32, #tpu.memory_space<vmem>>, vector<128x128xf32>
    %dot_general3A_32 = arith.constant dense<0.000000e+00> : vector<448x128xf32>
    %dot_general3A_33 = tpu.matmul %get3A_28, %get3A_31, %dot_general3A_32 {dimension_numbers = #tpu.dot_dimension_numbers<[1], [0], [0], [1], [0, 0, 1, 1], [], []>, transpose_lhs_hint = false} : vector<448x128xf32>, vector<128x128xf32>, vector<448x128xf32> -> vector<448x128xf32>
    %get3A_34 = arith.constant 0 : index
    %get3A_35 = arith.constant 0 : index
    %get3A_36 = vector.load %arg6[%get3A_34, %get3A_35] : memref<128x128xf32, #tpu.memory_space<vmem>>, vector<128x128xf32>
    %dot_general3A_37 = arith.constant dense<0.000000e+00> : vector<448x128xf32>
    %dot_general3A_38 = tpu.matmul %div3A, %get3A_36, %dot_general3A_37 {dimension_numbers = #tpu.dot_dimension_numbers<[1], [0], [0], [1], [0, 0, 1, 1], [], []>, transpose_lhs_hint = false} : vector<448x128xf32>, vector<128x128xf32>, vector<448x128xf32> -> vector<448x128xf32>
    %add3A_39 = arith.addf %dot_general3A_33, %dot_general3A_38 : vector<448x128xf32>
    %get3A_40 = arith.constant 0 : index
    %get3A_41 = arith.constant 0 : index
    %get3A_42 = vector.load %arg7[%get3A_40, %get3A_41] : memref<1x128xf32, #tpu.memory_space<vmem>>, vector<1x128xf32>
    %add3A_43 = vector.broadcast %get3A_42 : vector<1x128xf32> to vector<448x128xf32>
    %add3A_44 = arith.addf %add3A_39, %add3A_43 : vector<448x128xf32>
    %max3A_45 = arith.constant 0.000000e+00 : f32
    %max3A_46 = vector.broadcast %max3A_45 : f32 to vector<448x128xf32>
    %max3A_47 = arith.maximumf %add3A_44, %max3A_46 : vector<448x128xf32>
    %mul3A = arith.mulf %max3A_47, %max3A_47 : vector<448x128xf32>
    %get3A_48 = arith.constant 0 : index
    %get3A_49 = arith.constant 0 : index
    %get3A_50 = vector.load %arg8[%get3A_48, %get3A_49] : memref<128x128xf32, #tpu.memory_space<vmem>>, vector<128x128xf32>
    %dot_general3A_51 = arith.constant dense<0.000000e+00> : vector<448x128xf32>
    %dot_general3A_52 = tpu.matmul %mul3A, %get3A_50, %dot_general3A_51 {dimension_numbers = #tpu.dot_dimension_numbers<[1], [0], [0], [1], [0, 0, 1, 1], [], []>, transpose_lhs_hint = false} : vector<448x128xf32>, vector<128x128xf32>, vector<448x128xf32> -> vector<448x128xf32>
    %sqrt3A = math.sqrt %dot_general3A_52 : vector<448x128xf32>
    %max3A_53 = arith.constant 9.99999996E-13 : f32
    %max3A_54 = vector.broadcast %max3A_53 : f32 to vector<448x128xf32>
    %max3A_55 = arith.maximumf %sqrt3A, %max3A_54 : vector<448x128xf32>
    %div3A_56 = arith.divf %max3A_47, %max3A_55 : vector<448x128xf32>
    %get3A_57 = arith.constant 0 : index
    %get3A_58 = arith.constant 0 : index
    %get3A_59 = vector.load %arg9[%get3A_57, %get3A_58] : memref<1x128xf32, #tpu.memory_space<vmem>>, vector<1x128xf32>
    %mul3A_60 = vector.broadcast %get3A_59 : vector<1x128xf32> to vector<448x128xf32>
    %mul3A_61 = arith.mulf %div3A_56, %mul3A_60 : vector<448x128xf32>
    %get3A_62 = arith.constant 0 : index
    %get3A_63 = arith.constant 0 : index
    %get3A_64 = vector.load %arg10[%get3A_62, %get3A_63] : memref<128x8xf32, #tpu.memory_space<vmem>>, vector<128x8xf32>
    %dot_general3A_65 = arith.constant dense<0.000000e+00> : vector<448x8xf32>
    %dot_general3A_66 = tpu.matmul %mul3A_61, %get3A_64, %dot_general3A_65 {dimension_numbers = #tpu.dot_dimension_numbers<[1], [0], [0], [1], [0, 0, 1, 1], [], []>, transpose_lhs_hint = false} : vector<448x128xf32>, vector<128x8xf32>, vector<448x8xf32> -> vector<448x8xf32>
    %get3A_67 = arith.constant 0 : index
    %get3A_68 = arith.constant 0 : index
    %get3A_69 = vector.load %arg11[%get3A_67, %get3A_68] : memref<1x8xf32, #tpu.memory_space<vmem>>, vector<1x8xf32>
    %add3A_70 = vector.broadcast %get3A_69 : vector<1x8xf32> to vector<448x8xf32>
    %add3A_71 = arith.addf %dot_general3A_66, %add3A_70 : vector<448x8xf32>
    %swap3A = arith.constant 0 : index
    %swap3A_72 = arith.constant 0 : index
    %swap3A_73 = vector.load %arg12[%swap3A, %swap3A_72] : memref<448x8xf32, #tpu.memory_space<vmem>>, vector<448x8xf32>
    tpu.vector_store %arg12[%swap3A, %swap3A_72], %add3A_71 {strides = array<i32>} : memref<448x8xf32, #tpu.memory_space<vmem>>, vector<448x8xf32>,
    return
  }
  func.func @transform_0(%arg0: i32) -> (i32, i32) {
    %c0_i32 = arith.constant 0 : i32
    %c0_i32_0 = arith.constant 0 : i32
    return %arg0, %c0_i32 : i32, i32
  }
  func.func @transform_1(%arg0: i32) -> (i32, i32, i32) {
    %c0_i32 = arith.constant 0 : i32
    %c0_i32_0 = arith.constant 0 : i32
    %c0_i32_1 = arith.constant 0 : i32
    return %c0_i32, %arg0, %c0_i32_0 : i32, i32, i32
  }
  func.func @transform_2(%arg0: i32) -> (i32, i32, i32) {
    %c0_i32 = arith.constant 0 : i32
    %c0_i32_0 = arith.constant 0 : i32
    %c0_i32_1 = arith.constant 0 : i32
    return %c0_i32, %arg0, %c0_i32_0 : i32, i32, i32
  }
  func.func @transform_3(%arg0: i32) -> (i32, i32) {
    %c0_i32 = arith.constant 0 : i32
    %c0_i32_0 = arith.constant 0 : i32
    %c0_i32_1 = arith.constant 0 : i32
    return %c0_i32, %c0_i32_0 : i32, i32
  }
  func.func @transform_4(%arg0: i32) -> (i32, i32) {
    %c0_i32 = arith.constant 0 : i32
    %c0_i32_0 = arith.constant 0 : i32
    %c0_i32_1 = arith.constant 0 : i32
    return %c0_i32, %c0_i32_0 : i32, i32
  }
  func.func @transform_5(%arg0: i32) -> (i32, i32) {
    %c0_i32 = arith.constant 0 : i32
    %c0_i32_0 = arith.constant 0 : i32
    %c0_i32_1 = arith.constant 0 : i32
    return %c0_i32, %c0_i32_0 : i32, i32
  }
  func.func @transform_6(%arg0: i32) -> (i32, i32) {
    %c0_i32 = arith.constant 0 : i32
    %c0_i32_0 = arith.constant 0 : i32
    %c0_i32_1 = arith.constant 0 : i32
    return %c0_i32, %c0_i32_0 : i32, i32
  }
  func.func @transform_7(%arg0: i32) -> (i32, i32) {
    %c0_i32 = arith.constant 0 : i32
    %c0_i32_0 = arith.constant 0 : i32
    %c0_i32_1 = arith.constant 0 : i32
    return %c0_i32, %c0_i32_0 : i32, i32
  }
  func.func @transform_8(%arg0: i32) -> (i32, i32) {
    %c0_i32 = arith.constant 0 : i32
    %c0_i32_0 = arith.constant 0 : i32
    %c0_i32_1 = arith.constant 0 : i32
    return %c0_i32, %c0_i32_0 : i32, i32
  }
  func.func @transform_9(%arg0: i32) -> (i32, i32) {
    %c0_i32 = arith.constant 0 : i32
    %c0_i32_0 = arith.constant 0 : i32
    %c0_i32_1 = arith.constant 0 : i32
    return %c0_i32, %c0_i32_0 : i32, i32
  }
  func.func @transform_10(%arg0: i32) -> (i32, i32) {
    %c0_i32 = arith.constant 0 : i32
    %c0_i32_0 = arith.constant 0 : i32
    %c0_i32_1 = arith.constant 0 : i32
    return %c0_i32, %c0_i32_0 : i32, i32
  }
  func.func @transform_11(%arg0: i32) -> (i32, i32) {
    %c0_i32 = arith.constant 0 : i32
    %c0_i32_0 = arith.constant 0 : i32
    return %arg0, %c0_i32 : i32, i32
  }
}

</mosaic_0001>

<sc_bundles>
// kernel: kernel.10.cloned.1.call-start
scs
__scs_entry_jumppad:
0x0: {  	(pc) =	sbr.rel $0x88, $3  }
0x1: {  	(tag) =	ssettag $0x0;
	lr =	simm.s32 $0x1  }
0x2: {  	[smem:$0x3F95] =	sst lr;
	_ =	strace $0xD0000000  }
0x3: {  	_ = 	snop  }
0x4: {  	_ = 	snop  }
0x5: {  	_ = 	snop  }
0x6: {  	_ = 	snop  }
0x7: {  	_ = 	snop  }
__scs_overlays_trampoline_lowered:
0x8: {  	[smem:$0x3FA4] =	sst s0  }
0x9: {  	[smem:$0x3FA5] =	sst s1  }
0xa: {  	[smem:$0x3FA6] =	sst s2  }
0xb: {  	[smem:$0x3FA7] =	sst s3  }
0xc: {  	[smem:$0x3FA8] =	sst s4  }
0xd: {  	[smem:$0x3FA9] =	sst s5  }
0xe: {  	[smem:$0x3FAA] =	sst s6  }
0xf: {  	[smem:$0x3FAB] =	sst s7  }
0x10: {  	[smem:$0x3FAC] =	sst s8  }
0x11: {  	[smem:$0x3FAD] =	sst s9;
	s0 =	simm.s32 @!p0 $0x0  }
0x12: {  	s1 =	sld [smem:$0x3F93];
	s0 =	simm.s32 @p0 $0x1  }
0x13: {  	[smem:$0x3FAE] =	sst s0;
	s0 =	simm.s32 @!p1 $0x0  }
0x14: {  	s2 =	sld [smem:$0x3F92];
	s0 =	simm.s32 @p1 $0x1  }
0x15: {  	[smem:$0x3FAF] =	sst s0;
	s0 =	simm.s32 @!p2 $0x0  }
0x16: {  	s3 =	sld [smem:$0x3FDB];
	s0 =	simm.s32 @p2 $0x1  }
0x17: {  	s4 =	simm.s32 $0x1BF5;
	[smem:$0x3FB1] =	sst s0  }
0x18: {  	s0 =	sld [smem:$0x3F94];
	_ =	swait.ge [sflag:s4], $0x0  }
0x19: {  	s7 =	sld [smem:$0x3F95]  }
0x1a: {  	s8 =	sadd.s32 $0xFFFFE003, lr  }
0x1b: {  	s9 =	sadd.s32 $0xFFFFFEF7, lr;
	s5 =	simm.s32 $0xFFFFFFFF;
	p2 =	slt.u32 s8, $0xFFFFF086  }
0x1c: {  	p1 =	slt.u32 s9, $0xF7A;
	s5 =	simm.s32 @!p2 $0x0  }
0x1d: {  	s5 =	simm.s32 @p1 $0x1;
	p0 =	seq.s32 s7, s2  }
0x1e: {  	s7 =	smul.u32 @!p0 $0xF7A, s2;
	p2 =	seq.s32 @!p0 s5, $0x0  }
0x1f: {  	s9 =	smul.u32 $0xF7A, s1;
	s8 =	simm.s32 @!p0 $0x1BF5;
	p2 =	por !p2, p0  }
0x20: {  	[sflag:s8] =	ssyncset.s32 @!p0 $0xFFFFF086;
	s6 =	sadd.s32 @!p0 s3, s7;
	s7 =	simm.s32 @!p0 $0x108  }
0x21: {  	s3 =	sadd.s32 s3, s9;
	s6 =	sadd.s32 @!p0 $0x88, s6;
	s7 =	simm.s32 @p2 $0x1082  }
0x22: {  	[simem:s7], [sflag:s8] =	dma.local @!p0 [hbm:s6], $0xF7A  }
0x23: {  	s9 =	sor.u32 $0xD0000000, s2;
	s6 =	simm.s32 $0x108;
	_ =	swait.ge @!p0 [sflag:s8], $0x0  }
0x24: {  	s3 =	sadd.s32 $0x88, s3;
	s6 =	simm.s32 @!p1 $0x1082;
	[sflag:s4] =	ssyncset.s32 $0xFFFFF086  }
0x25: {  	[simem:s6], [sflag:s4] =	dma.local [hbm:s3], $0xF7A  }
0x26: {  	[smem:$0x3F95] =	sst s1;
	(tag) =	ssettag s2;
	_ =	strace s9  }
0x27: {  	s1 =	sld [smem:$0x3FA5]  }
0x28: {  	s2 =	sld [smem:$0x3FA6]  }
0x29: {  	s4 =	sld [smem:$0x3FA8]  }
0x2a: {  	p0 =	seq.s32 s5, $0x0;
	s5 =	sld [smem:$0x3FA9]  }
0x2b: {  	s6 =	sld [smem:$0x3FAA]  }
0x2c: {  	s7 =	sld [smem:$0x3FAB]  }
0x2d: {  	s3 =	simm.s32 $0x108;
	s8 =	sld [smem:$0x3FAC]  }
0x2e: {  	s3 =	simm.s32 @!p0 $0x1082;
	s9 =	sld [smem:$0x3FAD]  }
0x2f: {  	lr =	sadd.s32 s0, s3;
	s0 =	sld [smem:$0x3FA4]  }
0x30: {  	s3 =	sld [smem:$0x3FA7]  }
0x31: {  	[smem:$0x3FB0] =	sst s10  }
0x32: {  	s10 =	sld [smem:$0x3FAE];
	_ =	sdelay $0x3  }
0x33: {  	p0 =	seq.s32 s10, $0x1;
	s10 =	sld [smem:$0x3FB0];
	_ =	sdelay $0x3  }
0x34: {  	[smem:$0x3FB0] =	sst s10  }
0x35: {  	s10 =	sld [smem:$0x3FAF];
	_ =	sdelay $0x3  }
0x36: {  	p1 =	seq.s32 s10, $0x1;
	s10 =	sld [smem:$0x3FB0];
	_ =	sdelay $0x3  }
0x37: {  	[smem:$0x3FB0] =	sst s10  }
0x38: {  	s10 =	sld [smem:$0x3FB1]  }
0x39: {  	_ = 	snop;
	(pc) =	sbr.ind lr, $3  }
0x3a: {  	_ = 	snop  }
0x3b: {  	_ = 	snop  }
0x3c: {  	p2 =	seq.s32 s10, $0x1;
	s10 =	sld [smem:$0x3FB0]  }
0x3d: {  	_ =	shalt  }
0x3e: {  	_ =	shalt  }
0x3f: {  	_ =	shalt  }
0x40: {  	_ =	shalt  }
0x41: {  	_ =	shalt  }
0x42: {  	_ =	shalt  }
0x43: {  	_ =	shalt  }
0x44: {  	_ =	shalt  }
0x45: {  	_ =	shalt  }
0x46: {  	_ =	shalt  }
0x47: {  	_ =	shalt  }
0x48: {  	_ =	shalt  }
0x49: {  	_ =	shalt  }
0x4a: {  	_ =	shalt  }
0x4b: {  	_ =	shalt  }
0x4c: {  	_ =	shalt  }
0x4d: {  	_ =	shalt  }
0x4e: {  	_ =	shalt  }
0x4f: {  	_ =	shalt  }
0x50: {  	_ =	shalt  }
0x51: {  	_ =	shalt  }
0x52: {  	_ =	shalt  }
0x53: {  	_ =	shalt  }
0x54: {  	_ =	shalt  }
0x55: {  	_ =	shalt  }
0x56: {  	_ =	shalt  }
0x57: {  	_ =	shalt  }
0x58: {  	_ =	shalt  }
0x59: {  	_ =	shalt  }
0x5a: {  	_ =	shalt  }
0x5b: {  	_ =	shalt  }
0x5c: {  	_ =	shalt  }
0x5d: {  	_ =	shalt  }
0x5e: {  	_ =	shalt  }
0x5f: {  	_ =	shalt  }
0x60: {  	_ =	shalt  }
0x61: {  	_ =	shalt  }
0x62: {  	_ =	shalt  }
0x63: {  	_ =	shalt  }
0x64: {  	_ =	shalt  }
0x65: {  	_ =	shalt  }
0x66: {  	_ =	shalt  }
0x67: {  	_ =	shalt  }
0x68: {  	_ =	shalt  }
0x69: {  	_ =	shalt  }
0x6a: {  	_ =	shalt  }
0x6b: {  	_ =	shalt  }
0x6c: {  	_ =	shalt  }
0x6d: {  	_ =	shalt  }
0x6e: {  	_ =	shalt  }
0x6f: {  	_ =	shalt  }
0x70: {  	_ =	shalt  }
0x71: {  	_ =	shalt  }
0x72: {  	_ =	shalt  }
0x73: {  	_ =	shalt  }
0x74: {  	_ =	shalt  }
0x75: {  	_ =	shalt  }
0x76: {  	_ =	shalt  }
0x77: {  	_ =	shalt  }
0x78: {  	_ =	shalt  }
0x79: {  	_ =	shalt  }
0x7a: {  	_ =	shalt  }
0x7b: {  	_ =	shalt  }
0x7c: {  	_ =	shalt  }
0x7d: {  	_ =	shalt  }
0x7e: {  	_ =	shalt  }
0x7f: {  	_ =	shalt  }
0x80: {  	_ =	shalt  }
0x81: {  	_ =	shalt  }
0x82: {  	_ =	shalt  }
0x83: {  	_ =	shalt  }
0x84: {  	_ =	shalt  }
0x85: {  	_ =	shalt  }
0x86: {  	_ =	shalt  }
0x87: {  	_ =	shalt  }
.Lfunc_end0:
.L_simem_size_0:
called_computation.1_lowered:
.L_overlay_start_0:
0x88: {  	s2 =	sld [smem:$0x3FD9]  }
0x89: {  	s3 =	sld [smem:$0x3FFE];
	_ =	sdelay $0x1  }
0x8a: {  	s1 =	srdreg.scid  }
0x8b: {  	s0 =	sand.u32 $0x1, s1  }
0x8c: {  	s16 =	sshll.u32 s0, $0xA;
	s2 =	sadd.s32 s3, s2  }
0x8d: {  	s2 =	sadd.s32 s2, s16  }
0x8e: {  	[smem:$0x3FBC] =	sst s2  }
0x8f: {  	_ = 	snop  }
0x90: {  	(tm) =	ssettm $0x1  }
0x91: {  	s17 =	sld [smem:$0x3FFB];
	_ =	sdelay $0x3  }
0x92: {  	_ =	strace s17  }
0x93: {  	s2 =	sld [smem:$0x3FFC];
	_ =	sdelay $0x3  }
0x94: {  	_ =	strace s2  }
0x95: {  	s2 =	sld [smem:$0x3FFD];
	_ =	sdelay $0x3  }
0x96: {  	_ =	strace s2  }
0x97: {  	_ =	strace $0x8FFFFFFF  }
0x98: {  	s18 =	sld [smem:$0x3FDB];
	_ =	sdelay $0x1  }
0x99: {  	s19 =	simm.s32 $_scs_section_size  }
0x9a: {  	s4 =	simm.s32 $_size__tile_overlayer_lowered;
	s5 =	simm.s32 $_tile_overlayer_lowered  }
0x9b: {  	s22 =	simm.s32 $0x1BFF;
	s21 =	sshll.u32 s5, $0x1;
	s2 =	sadd.s32 s19, s18  }
0x9c: {  	s6 =	simm.s32 $0x0;
	s20 =	sshll.u32 s4, $0x1;
	s4 =	sadd.s32 s21, s2  }
0x9d: {  	[timem:s6], [sflag:s22] =	dma.local [hbm:s4], s20  }
0x9e: {  	_ =	swait.ge [sflag:s22], s20  }
0x9f: {  	s3 =	ssub.s32 $0x0, s20;
	[sflag:s22] =	ssyncset.done $0x0  }
0xa0: {  	[sflag:s22] =	ssyncadd.s32 s3;
	_ =	sdelay $0x1  }
0xa1: {  	s23 =	simm.s32 $0x1B8B  }
0xa2: {  	_ =	swait.ge [sflag:s23], $0x1  }
0xa3: {  	[sflag:s23] =	ssyncset.done $0x0  }
0xa4: {  	s25 =	simm.s32 $0x1B8E;
	s24 =	sld [smem:$0x3FFE];
	[sflag:s23] =	ssyncadd.s32 $0xFFFFFFFF  }
0xa5: {  	s26 =	simm.s32 $execute0_lowered;
	[smem:$0x3FD2] =	sst s25  }
0xa6: {  	s4 =	sshll.u32 s26, $0x1;
	_ =	strace $0x80000049;
	[dreg:$0x1] =	wrdreg $0xFFFFFFFF  }
0xa7: {  	s28 =	simm.s32 $_size_execute0_lowered;
	s2 =	sadd.s32 s2, s4;
	[dreg:$0x0] =	wrdreg $0x0  }
0xa8: {  	s4 =	sshll.u32 s28, $0x1;
	[dreg:$0x2] =	wrdreg s2  }
0xa9: {  	[dreg:$0x3] =	wrdreg s4  }
0xaa: {  	[dreg:$0x4] =	wrdreg $0xC0  }
0xab: {  	_ =	task [dreg:s6], $0x5FFFF  }
0xac: {  	[dreg:$0x1] =	wrdreg $0xFFFFFFFF  }
0xad: {  	[dreg:$0x0] =	wrdreg $0x60  }
0xae: {  	[dreg:$0x2] =	wrdreg s24  }
0xaf: {  	[dreg:$0x3] =	wrdreg $0x0  }
0xb0: {  	[dreg:$0x4] =	wrdreg $0x9  }
0xb1: {  	_ =	task.clear_ibuf [dreg:s6], $0x5FFFF;
	_ =	strace $0x90000049  }
0xb2: {  	s29 =	simm.s32 $0x9;
	_ =	strace $0x8000004B  }
0xb3: {  	_ =	swait.ge [sflag:s29], $0x1  }
0xb4: {  	[sflag:s29] =	ssyncadd.s32 $0xFFFFFFFF  }
0xb5: {  	_ =	strace $0x9000004B  }
0xb6: {  	_ =	sfence  }
0xb7: {  	s30 =	sld [smem:$0x0];
	_ =	sdelay $0x2  }
0xb8: {  	s31 =	sshll.u32 s1, $0xD;
	s1 =	sshrl.u32 s1, $0x2  }
0xb9: {  	s3 =	sand.u32 $0x4000, s31;
	s1 =	sadd.s32 s1, s30  }
0xba: {  	s0 =	sor.u32 s3, s0;
	s1 =	sshll.u32 s1, $0x11  }
0xbb: {  	s0 =	sor.u32 s1, s0  }
0xbc: {  	s0 =	sadd.s32 $0x8F2B, s0  }
0xbd: {  	[sflag:s0] =	ssyncadd.remote.s32 $0x1  }
0xbe: {  	_ =	sfence.sel $0xFFFF  }
0xbf: {  	[dreg:$0x0] =	wrdreg $0xFFFFFFFF;
	(pc) =	sbr.abs _section_cstart, $3  }
0xc0: {  	[dreg:$0x1] =	wrdreg $0xFFFFFFFF  }
0xc1: {  	_ =	task.clear_ibuf [dreg:s6], $0x2FFFF;
	_ =	strace $0x9FFFFFFF  }
0xc2: {  	(tm) =	ssettm $0x7FFFFFFF  }
0xc3: {  	_ =	shalt  }
tec
execute0_lowered:
.L_overlay_start_1:
0x0: {  	(tag) =	ssettag $0x1  }
0x1: {  	s0 =	rddreg [dreg:$0x0]  }
0x2: {  	s2 =	rddreg [dreg:$0x1];
	s3 =	simm.s32 $0x0;
	s11 =	stileid.u32  }
0x3: {  	s1 =	srdreg.scid;
	s18 =	simm.s32 $0x5;
	s28 =	simm.s32 $0x3  }
0x4: {  	s29 =	simm.s32 $0x2;
	s30 =	simm.s32 $0x4;
	s31 =	simm.s32 $0x0  }
0x5: {  	[smem:$0x7FF] =	sst s3;
	s5 =	smul.u32 $0x18800, s11;
	s1 =	sand.u32 $0x1, s1  }
0x6: {  	s4 =	sadd.s32 $0xC6C00, s0;
	s16 =	sadd.s32 $0x2C00, s0;
	s15 =	sadd.s32 $0x64C00, s0  }
0x7: {  	s9 =	sshll.u32 s11, $0x1;
	s22 =	sshll.u32 s11, $0x6;
	s11 =	smul.u32 $0x31000, s11  }
0x8: {  	_ =	strace $0x8000004A;
	s6 =	smul.u32 $0x188000, s1;
	s8 =	ssub.s32 $0x2, s1  }
0x9: {  	s9 =	sor.u32 s1, s9;
	s1 =	smul.u32 $0x18800, s1;
	s7 =	sshrl.u32 s5, $0x3  }
0xa: {  	s19 =	sshrl.u32 s8, $0x1;
	s20 =	smul.u32 $0x18800, s9;
	s7 =	sadd.s32 s7, s0  }
0xb: {  	s6 =	sadd.s32 s5, s6;
	s10 =	ssub.s32 s8, s19;
	s5 =	sadd.s32 s5, s2  }
0xc: {  	s1 =	sadd.s32 s1, s11;
	s19 =	simm.s32 $0x18800;
	s6 =	sshrl.u32 s6, $0x3  }
0xd: {  	s21 =	sadd.s32 $0xF7C00, s7;
	s12 =	sshrl.u32 s20, $0x3;
	s10 =	smax.u32 s10, $0x1  }
0xe: {  	s13 =	sor.u32 $0x400, s1;
	s1 =	sor.u32 $0x200, s1;
	s17 =	sshrl.u32 s5, $0x3  }
0xf: {  	s20 =	simm.s32 $0x18C00;
	s0 =	sadd.s32 s6, s0;
	[dreg:$0x3] =	wrdreg s21  }
0x10: {  	s6 =	sor.u32 $0x1C05, s22;
	s23 =	sadd.s32 s16, s12;
	s24 =	sadd.s32 s15, s12  }
0x11: {  	s25 =	sadd.s32 $0x30C0, s12;
	s26 =	sshrl.u32 s13, $0x3;
	s1 =	sshrl.u32 s1, $0x3  }
0x12: {  	s21 =	simm.s32 $0x200;
	s22 =	simm.s32 $0x19000;
	[dreg:$0x4] =	wrdreg s23  }
0x13: {  	[dreg:$0x5] =	wrdreg s24;
	s9 =	sadd.s32 $0x128C00, s0;
	s11 =	sadd.s32 s16, s25  }
0x14: {  	s12 =	sadd.s32 s15, s25;
	s13 =	sadd.s32 s26, s15;
	s14 =	sadd.s32 s26, s16  }
0x15: {  	s15 =	sadd.s32 s1, s15;
	s16 =	sadd.s32 s1, s16;
	s23 =	simm.s32 $0x18A00  }
0x16: {  	s24 =	simm.s32 $0x18E00;
	s25 =	simm.s32 $0x1B000;
	s26 =	simm.s32 $0x1  }
.LBB2_1:
0x17: {  	s0 =	rddreg [dreg:$0x3]  }
0x18: {  	[spmem:s17], [sflag:s6] =	dma.local [hbm:s0], $0x3100  }
0x19: {  	_ =	swait.ge [sflag:s18], $0x3100  }
0x1a: {  	[sflag:s18] =	ssyncset.done $0x0  }
0x1b: {  	[sflag:s18] =	ssyncadd.s32 $0xFFFFCF00  }
0x1c: {  	[bflag:$0x0] =	sbarrier.arrive $0xFFFF  }
0x1d: {  	s7 =	rddreg [dreg:$0x4]  }
0x1e: {  	[tilespmem:s19], [sflag:$0x5] =	stream.linear.gather [hbm4b:s7+s3], $0x200, $0x38;
	[tilespmem:$0x1D000] =	vst v63  }
0x1f: {  	_ =	swait.ge [sflag:s18], $0x200  }
0x20: {  	[sflag:s18] =	ssyncset.done $0x0  }
0x21: {  	s8 =	rddreg [dreg:$0x5];
	[sflag:s18] =	ssyncadd.s32 $0xFFFFFE00  }
0x22: {  	[tilespmem:s20], [sflag:$0x5] =	stream.linear.gather [hbm4b:s8+s3], $0x200, $0x38;
	[tilespmem:$0x1D000] =	vst v63  }
0x23: {  	_ =	swait.ge [sflag:s18], $0x200  }
0x24: {  	[sflag:s18] =	ssyncset.done $0x0  }
0x25: {  	[sflag:s18] =	ssyncadd.s32 $0xFFFFFE00  }
0x26: {  	[tilespmem:s22], [sflag:$0x1] =	stream.indirect.gather [hbm4b:s4+s21], $0x10, s19, s21, $0xb8;
	[tilespmem:$0x1D000] =	vst v63  }
0x27: {  	s1 =	sadd.s32 $0x0, s16  }
0x28: {  	[tilespmem:s23], [sflag:$0x5] =	stream.linear.gather [hbm4b:s1+s3], $0x200, $0x38;
	[tilespmem:$0x1D000] =	vst v63  }
0x29: {  	_ =	swait.ge [sflag:s18], $0x200  }
0x2a: {  	[sflag:s18] =	ssyncset.done $0x0  }
0x2b: {  	s5 =	sadd.s32 $0x0, s15;
	[sflag:s18] =	ssyncadd.s32 $0xFFFFFE00  }
0x2c: {  	[tilespmem:s24], [sflag:$0x5] =	stream.linear.gather [hbm4b:s5+s3], $0x200, $0x38;
	[tilespmem:$0x1D000] =	vst v63  }
0x2d: {  	_ =	swait.ge [sflag:s18], $0x200  }
0x2e: {  	[sflag:s18] =	ssyncset.done $0x0  }
0x2f: {  	[sflag:s18] =	ssyncadd.s32 $0xFFFFFE00  }
0x30: {  	[tilespmem:s25], [sflag:$0x2] =	stream.indirect.gather [hbm4b:s4+s21], $0x10, s23, s21, $0xb8;
	[tilespmem:$0x1D000] =	vst v63  }
0x31: {  	_ =	swait.ge [sflag:s26], $0x2000  }
0x32: {  	[sflag:s26] =	ssyncset.done $0x0  }
0x33: {  	[sflag:s26] =	ssyncadd.s32 $0xFFFFE000  }
0x34: {  	[spmem:s2] =	stream.indirect.scatter.add.f32 [tilespmem:s22], [sflag:$0x3], $0x10, s20, s21, $0xb8;
	[tilespmem:$0x1D000] =	vst v63  }
0x35: {  	_ =	swait.ge [sflag:s28], $0x2000  }
0x36: {  	[sflag:s28] =	ssyncset.done $0x0  }
0x37: {  	s7 =	sadd.s32 $0x0, s14;
	[sflag:s28] =	ssyncadd.s32 $0xFFFFE000  }
0x38: {  	[tilespmem:s19], [sflag:$0x5] =	stream.linear.gather [hbm4b:s7+s3], $0x200, $0x38;
	[tilespmem:$0x1D000] =	vst v63  }
0x39: {  	_ =	swait.ge [sflag:s18], $0x200  }
0x3a: {  	[sflag:s18] =	ssyncset.done $0x0  }
0x3b: {  	s8 =	sadd.s32 $0x0, s13;
	[sflag:s18] =	ssyncadd.s32 $0xFFFFFE00  }
0x3c: {  	[tilespmem:s20], [sflag:$0x5] =	stream.linear.gather [hbm4b:s8+s3], $0x200, $0x38;
	[tilespmem:$0x1D000] =	vst v63  }
0x3d: {  	_ =	swait.ge [sflag:s18], $0x200  }
0x3e: {  	[sflag:s18] =	ssyncset.done $0x0  }
0x3f: {  	[sflag:s18] =	ssyncadd.s32 $0xFFFFFE00  }
0x40: {  	[tilespmem:s22], [sflag:$0x1] =	stream.indirect.gather [hbm4b:s4+s21], $0x10, s19, s21, $0xb8;
	[tilespmem:$0x1D000] =	vst v63  }
0x41: {  	_ =	swait.ge [sflag:s29], $0x2000  }
0x42: {  	[sflag:s29] =	ssyncset.done $0x0  }
0x43: {  	[sflag:s29] =	ssyncadd.s32 $0xFFFFE000  }
0x44: {  	[spmem:s2] =	stream.indirect.scatter.add.f32 [tilespmem:s25], [sflag:$0x4], $0x10, s24, s21, $0xb8;
	[tilespmem:$0x1D000] =	vst v63  }
0x45: {  	_ =	swait.ge [sflag:s30], $0x2000  }
0x46: {  	s0 =	simm.s32 $0x80;
	s1 =	simm.s32 $0x100;
	[sflag:s30] =	ssyncset.done $0x0  }
.LBB2_2:
0x47: {  	s7 =	sadd.s32 s0, s16  }
0x48: {  	[sflag:s30] =	ssyncadd.s32 $0xFFFFE000;
	s8 =	smov.u32 s1;
	s5 =	sadd.s32 $0x80, s1  }
0x49: {  	[tilespmem:s23], [sflag:$0x5] =	stream.linear.gather [hbm4b:s7+s3], $0x200, $0x38;
	[tilespmem:$0x1D000] =	vst v63  }
0x4a: {  	p0 =	sne.s32 s1, $0x3000;
	_ =	swait.ge [sflag:s18], $0x200  }
0x4b: {  	[sflag:s18] =	ssyncset.done $0x0  }
0x4c: {  	s1 =	sadd.s32 s0, s15;
	[sflag:s18] =	ssyncadd.s32 $0xFFFFFE00  }
0x4d: {  	[tilespmem:s24], [sflag:$0x5] =	stream.linear.gather [hbm4b:s1+s3], $0x200, $0x38;
	[tilespmem:$0x1D000] =	vst v63  }
0x4e: {  	_ =	swait.ge [sflag:s18], $0x200  }
0x4f: {  	[sflag:s18] =	ssyncset.done $0x0  }
0x50: {  	[sflag:s18] =	ssyncadd.s32 $0xFFFFFE00  }
0x51: {  	[tilespmem:s25], [sflag:$0x2] =	stream.indirect.gather [hbm4b:s4+s21], $0x10, s23, s21, $0xb8;
	[tilespmem:$0x1D000] =	vst v63  }
0x52: {  	_ =	swait.ge [sflag:s26], $0x2000  }
0x53: {  	[sflag:s26] =	ssyncset.done $0x0  }
0x54: {  	[sflag:s26] =	ssyncadd.s32 $0xFFFFE000  }
0x55: {  	[spmem:s2] =	stream.indirect.scatter.add.f32 [tilespmem:s22], [sflag:$0x3], $0x10, s20, s21, $0xb8;
	[tilespmem:$0x1D000] =	vst v63  }
0x56: {  	_ =	swait.ge [sflag:s28], $0x2000  }
0x57: {  	[sflag:s28] =	ssyncset.done $0x0  }
0x58: {  	s1 =	sadd.s32 s0, s14;
	[sflag:s28] =	ssyncadd.s32 $0xFFFFE000  }
0x59: {  	[tilespmem:s19], [sflag:$0x5] =	stream.linear.gather [hbm4b:s1+s3], $0x200, $0x38;
	[tilespmem:$0x1D000] =	vst v63  }
0x5a: {  	_ =	swait.ge [sflag:s18], $0x200  }
0x5b: {  	[sflag:s18] =	ssyncset.done $0x0  }
0x5c: {  	s1 =	sadd.s32 s0, s13;
	s0 =	smov.u32 s8;
	[sflag:s18] =	ssyncadd.s32 $0xFFFFFE00  }
0x5d: {  	[tilespmem:s20], [sflag:$0x5] =	stream.linear.gather [hbm4b:s1+s3], $0x200, $0x38;
	[tilespmem:$0x1D000] =	vst v63  }
0x5e: {  	_ =	swait.ge [sflag:s18], $0x200  }
0x5f: {  	[sflag:s18] =	ssyncset.done $0x0  }
0x60: {  	[sflag:s18] =	ssyncadd.s32 $0xFFFFFE00  }
0x61: {  	[tilespmem:s22], [sflag:$0x1] =	stream.indirect.gather [hbm4b:s4+s21], $0x10, s19, s21, $0xb8;
	[tilespmem:$0x1D000] =	vst v63  }
0x62: {  	_ =	swait.ge [sflag:s29], $0x2000  }
.Ltmp0:
0x63: {  	[sflag:s29] =	ssyncset.done $0x0;
	(pc) =	sbr.rel @p0 .LBB2_2-.Ltmp0, $4  }
0x64: {  	[sflag:s29] =	ssyncadd.s32 $0xFFFFE000  }
0x65: {  	[spmem:s2] =	stream.indirect.scatter.add.f32 [tilespmem:s25], [sflag:$0x4], $0x10, s24, s21, $0xb8;
	[tilespmem:$0x1D000] =	vst v63  }
0x66: {  	_ =	swait.ge [sflag:s30], $0x2000  }
0x67: {  	s1 =	smov.u32 s5;
	[sflag:s30] =	ssyncset.done $0x0  }
0x68: {  	s1 =	sadd.s32 s0, s16;
	[sflag:s30] =	ssyncadd.s32 $0xFFFFE000  }
0x69: {  	[tilespmem:s23], [sflag:$0x5] =	stream.linear.gather [hbm4b:s1+s3], $0x200, $0x38;
	[tilespmem:$0x1D000] =	vst v63  }
0x6a: {  	_ =	swait.ge [sflag:s18], $0x200  }
0x6b: {  	[sflag:s18] =	ssyncset.done $0x0  }
0x6c: {  	s5 =	sadd.s32 s0, s15;
	[sflag:s18] =	ssyncadd.s32 $0xFFFFFE00  }
0x6d: {  	[tilespmem:s24], [sflag:$0x5] =	stream.linear.gather [hbm4b:s5+s3], $0x200, $0x38;
	[tilespmem:$0x1D000] =	vst v63  }
0x6e: {  	_ =	swait.ge [sflag:s18], $0x200  }
0x6f: {  	[sflag:s18] =	ssyncset.done $0x0  }
0x70: {  	[sflag:s18] =	ssyncadd.s32 $0xFFFFFE00  }
0x71: {  	[tilespmem:s25], [sflag:$0x2] =	stream.indirect.gather [hbm4b:s4+s21], $0x10, s23, s21, $0xb8;
	[tilespmem:$0x1D000] =	vst v63  }
0x72: {  	_ =	swait.ge [sflag:s26], $0x2000  }
0x73: {  	[sflag:s26] =	ssyncset.done $0x0  }
0x74: {  	[sflag:s26] =	ssyncadd.s32 $0xFFFFE000  }
0x75: {  	[spmem:s2] =	stream.indirect.scatter.add.f32 [tilespmem:s22], [sflag:$0x3], $0x10, s20, s21, $0xb8;
	[tilespmem:$0x1D000] =	vst v63  }
0x76: {  	_ =	swait.ge [sflag:s28], $0x2000  }
0x77: {  	[sflag:s28] =	ssyncset.done $0x0  }
0x78: {  	s7 =	sadd.s32 s0, s14;
	[sflag:s28] =	ssyncadd.s32 $0xFFFFE000  }
0x79: {  	[tilespmem:s19], [sflag:$0x5] =	stream.linear.gather [hbm4b:s7+s3], $0x200, $0x38;
	[tilespmem:$0x1D000] =	vst v63  }
0x7a: {  	_ =	swait.ge [sflag:s18], $0x200  }
0x7b: {  	[sflag:s18] =	ssyncset.done $0x0  }
0x7c: {  	s8 =	sadd.s32 s0, s13;
	[sflag:s18] =	ssyncadd.s32 $0xFFFFFE00  }
0x7d: {  	[tilespmem:s20], [sflag:$0x5] =	stream.linear.gather [hbm4b:s8+s3], $0x200, $0x38;
	[tilespmem:$0x1D000] =	vst v63  }
0x7e: {  	_ =	swait.ge [sflag:s18], $0x200  }
0x7f: {  	[sflag:s18] =	ssyncset.done $0x0  }
0x80: {  	[sflag:s18] =	ssyncadd.s32 $0xFFFFFE00  }
0x81: {  	[tilespmem:s22], [sflag:$0x1] =	stream.indirect.gather [hbm4b:s4+s21], $0x10, s19, s21, $0xb8;
	[tilespmem:$0x1D000] =	vst v63  }
0x82: {  	_ =	swait.ge [sflag:s29], $0x2000  }
0x83: {  	[sflag:s29] =	ssyncset.done $0x0  }
0x84: {  	[sflag:s29] =	ssyncadd.s32 $0xFFFFE000  }
0x85: {  	[spmem:s2] =	stream.indirect.scatter.add.f32 [tilespmem:s25], [sflag:$0x4], $0x10, s24, s21, $0xb8;
	[tilespmem:$0x1D000] =	vst v63  }
0x86: {  	_ =	swait.ge [sflag:s30], $0x2000  }
0x87: {  	[sflag:s30] =	ssyncset.done $0x0  }
0x88: {  	[sflag:s30] =	ssyncadd.s32 $0xFFFFE000  }
0x89: {  	[tilespmem:s23], [sflag:$0x5] =	stream.linear.gather [hbm4b:s11+s3], $0x200, $0x38;
	[tilespmem:$0x1D000] =	vst v63  }
0x8a: {  	_ =	swait.ge [sflag:s18], $0x200  }
0x8b: {  	[sflag:s18] =	ssyncset.done $0x0  }
0x8c: {  	[sflag:s18] =	ssyncadd.s32 $0xFFFFFE00  }
0x8d: {  	[tilespmem:s24], [sflag:$0x5] =	stream.linear.gather [hbm4b:s12+s3], $0x200, $0x38;
	[tilespmem:$0x1D000] =	vst v63  }
0x8e: {  	_ =	swait.ge [sflag:s18], $0x200  }
0x8f: {  	[sflag:s18] =	ssyncset.done $0x0  }
0x90: {  	[sflag:s18] =	ssyncadd.s32 $0xFFFFFE00  }
0x91: {  	[tilespmem:s25], [sflag:$0x2] =	stream.indirect.gather [hbm4b:s4+s21], $0x10, s23, s21, $0xb8;
	[tilespmem:$0x1D000] =	vst v63  }
0x92: {  	_ =	swait.ge [sflag:s26], $0x2000  }
0x93: {  	[sflag:s26] =	ssyncset.done $0x0  }
0x94: {  	[sflag:s26] =	ssyncadd.s32 $0xFFFFE000  }
0x95: {  	[spmem:s2] =	stream.indirect.scatter.add.f32 [tilespmem:s22], [sflag:$0x3], $0x10, s20, s21, $0xb8;
	[tilespmem:$0x1D000] =	vst v63  }
0x96: {  	_ =	swait.ge [sflag:s28], $0x2000  }
0x97: {  	[sflag:s28] =	ssyncset.done $0x0  }
0x98: {  	[sflag:s28] =	ssyncadd.s32 $0xFFFFE000  }
0x99: {  	_ =	swait.ge [sflag:s29], $0x2000  }
0x9a: {  	[sflag:s29] =	ssyncset.done $0x0  }
0x9b: {  	[sflag:s29] =	ssyncadd.s32 $0xFFFFE000  }
0x9c: {  	[spmem:s2] =	stream.indirect.scatter.add.f32 [tilespmem:s25], [sflag:$0x4], $0x10, s24, s21, $0xb8;
	[tilespmem:$0x1D000] =	vst v63  }
0x9d: {  	_ =	swait.ge [sflag:s30], $0x2000  }
0x9e: {  	s31 =	sadd.s32 $0x1, s31;
	[sflag:s30] =	ssyncset.done $0x0  }
0x9f: {  	p0 =	sne.s32 s31, s10;
	[sflag:s30] =	ssyncadd.s32 $0xFFFFE000  }
.Ltmp1:
0xa0: {  	[bflag:$0x0] =	sbarrier.arrive $0xFFFF;
	(pc) =	sbr.rel @p0 .LBB2_1-.Ltmp1, $4  }
0xa1: {  	[hbm:s9], [sflag:s6] =	dma.local [spmem:s17], $0x3100  }
0xa2: {  	_ =	swait.ge [sflag:s18], $0x3100  }
0xa3: {  	[sflag:s18] =	ssyncset.done $0x0  }
0xa4: {  	[sflag:s18] =	ssyncadd.s32 $0xFFFFCF00  }
0xa5: {  	_ =	sfence.sel $0x180000  }
0xa6: {  	[bflag:$0x0] =	sbarrier.arrive $0xFFFF  }
0xa7: {  	_ =	strace $0x9000004A  }
0xa8: {  	s0 =	stileid.u32;
	[bflag:$0x2] =	sbarrier.arrive $0xFFFF  }
0xa9: {  	p0 =	sne.s32 s0, $0x0;
	s0 =	rddreg [dreg:$0x2]  }
0xaa: {  	s0 =	sadd.s32 @!p0 $0x100000, s0  }
0xab: {  	[sflag:s0] =	ssyncadd.tile.s32 @!p0 $0x1;
	_ =	shalt  }
.Lfunc_end2:
_tile_overlayer_lowered:
.L_overlay_start_2:
0xac: {  	(tag) =	ssettag $0x2  }
0xad: {  	s0 =	rddreg [dreg:$0x0];
	s2 =	stileid.u32  }
0xae: {  	s1 =	rddreg [dreg:$0x1];
	p0 =	sne.s32 s2, $0x0  }
0xaf: {  	s3 =	rddreg [dreg:$0x2];
	[bflag:$0x3] =	sbarrier.arrive $0xFFFF;
	s2 =	simm.s32 @!p0 $0x1C05  }
0xb0: {  	[timem:s3], [sflag:s2] =	dma.local @!p0 [hbm:s0], s1  }
0xb1: {  	s0 =	simm.s32 @!p0 $0x5  }
0xb2: {  	_ =	swait.ge @!p0 [sflag:s0], s1  }
0xb3: {  	s1 =	ssub.s32 @!p0 $0x0, s1;
	[sflag:s0] =	ssyncset.done @!p0 $0x0  }
0xb4: {  	[sflag:s0] =	ssyncadd.s32 @!p0 s1  }
0xb5: {  	[bflag:$0x3] =	sbarrier.arrive $0xFFFF  }
0xb6: {  	_ =	shalt  }

// kernel: kernel.7.cloned.1.call-start
scs
__scs_entry_jumppad:
0x0: {  	(pc) =	sbr.rel $0x88, $3  }
0x1: {  	(tag) =	ssettag $0x0;
	lr =	simm.s32 $0x1  }
0x2: {  	[smem:$0x3F95] =	sst lr;
	_ =	strace $0xD0000000  }
0x3: {  	_ = 	snop  }
0x4: {  	_ = 	snop  }
0x5: {  	_ = 	snop  }
0x6: {  	_ = 	snop  }
0x7: {  	_ = 	snop  }
__scs_overlays_trampoline_lowered:
0x8: {  	[smem:$0x3FA4] =	sst s0  }
0x9: {  	[smem:$0x3FA5] =	sst s1  }
0xa: {  	[smem:$0x3FA6] =	sst s2  }
0xb: {  	[smem:$0x3FA7] =	sst s3  }
0xc: {  	[smem:$0x3FA8] =	sst s4  }
0xd: {  	[smem:$0x3FA9] =	sst s5  }
0xe: {  	[smem:$0x3FAA] =	sst s6  }
0xf: {  	[smem:$0x3FAB] =	sst s7  }
0x10: {  	[smem:$0x3FAC] =	sst s8  }
0x11: {  	[smem:$0x3FAD] =	sst s9;
	s0 =	simm.s32 @!p0 $0x0  }
0x12: {  	s1 =	sld [smem:$0x3F93];
	s0 =	simm.s32 @p0 $0x1  }
0x13: {  	[smem:$0x3FAE] =	sst s0;
	s0 =	simm.s32 @!p1 $0x0  }
0x14: {  	s2 =	sld [smem:$0x3F92];
	s0 =	simm.s32 @p1 $0x1  }
0x15: {  	[smem:$0x3FAF] =	sst s0;
	s0 =	simm.s32 @!p2 $0x0  }
0x16: {  	s3 =	sld [smem:$0x3FDB];
	s0 =	simm.s32 @p2 $0x1  }
0x17: {  	s4 =	simm.s32 $0x1BF5;
	[smem:$0x3FB1] =	sst s0  }
0x18: {  	s0 =	sld [smem:$0x3F94];
	_ =	swait.ge [sflag:s4], $0x0  }
0x19: {  	s7 =	sld [smem:$0x3F95]  }
0x1a: {  	s8 =	sadd.s32 $0xFFFFE003, lr  }
0x1b: {  	s9 =	sadd.s32 $0xFFFFFEF7, lr;
	s5 =	simm.s32 $0xFFFFFFFF;
	p2 =	slt.u32 s8, $0xFFFFF086  }
0x1c: {  	p1 =	slt.u32 s9, $0xF7A;
	s5 =	simm.s32 @!p2 $0x0  }
0x1d: {  	s5 =	simm.s32 @p1 $0x1;
	p0 =	seq.s32 s7, s2  }
0x1e: {  	s7 =	smul.u32 @!p0 $0xF7A, s2;
	p2 =	seq.s32 @!p0 s5, $0x0  }
0x1f: {  	s9 =	smul.u32 $0xF7A, s1;
	s8 =	simm.s32 @!p0 $0x1BF5;
	p2 =	por !p2, p0  }
0x20: {  	[sflag:s8] =	ssyncset.s32 @!p0 $0xFFFFF086;
	s6 =	sadd.s32 @!p0 s3, s7;
	s7 =	simm.s32 @!p0 $0x108  }
0x21: {  	s3 =	sadd.s32 s3, s9;
	s6 =	sadd.s32 @!p0 $0x88, s6;
	s7 =	simm.s32 @p2 $0x1082  }
0x22: {  	[simem:s7], [sflag:s8] =	dma.local @!p0 [hbm:s6], $0xF7A  }
0x23: {  	s9 =	sor.u32 $0xD0000000, s2;
	s6 =	simm.s32 $0x108;
	_ =	swait.ge @!p0 [sflag:s8], $0x0  }
0x24: {  	s3 =	sadd.s32 $0x88, s3;
	s6 =	simm.s32 @!p1 $0x1082;
	[sflag:s4] =	ssyncset.s32 $0xFFFFF086  }
0x25: {  	[simem:s6], [sflag:s4] =	dma.local [hbm:s3], $0xF7A  }
0x26: {  	[smem:$0x3F95] =	sst s1;
	(tag) =	ssettag s2;
	_ =	strace s9  }
0x27: {  	s1 =	sld [smem:$0x3FA5]  }
0x28: {  	s2 =	sld [smem:$0x3FA6]  }
0x29: {  	s4 =	sld [smem:$0x3FA8]  }
0x2a: {  	p0 =	seq.s32 s5, $0x0;
	s5 =	sld [smem:$0x3FA9]  }
0x2b: {  	s6 =	sld [smem:$0x3FAA]  }
0x2c: {  	s7 =	sld [smem:$0x3FAB]  }
0x2d: {  	s3 =	simm.s32 $0x108;
	s8 =	sld [smem:$0x3FAC]  }
0x2e: {  	s3 =	simm.s32 @!p0 $0x1082;
	s9 =	sld [smem:$0x3FAD]  }
0x2f: {  	lr =	sadd.s32 s0, s3;
	s0 =	sld [smem:$0x3FA4]  }
0x30: {  	s3 =	sld [smem:$0x3FA7]  }
0x31: {  	[smem:$0x3FB0] =	sst s10  }
0x32: {  	s10 =	sld [smem:$0x3FAE];
	_ =	sdelay $0x3  }
0x33: {  	p0 =	seq.s32 s10, $0x1;
	s10 =	sld [smem:$0x3FB0];
	_ =	sdelay $0x3  }
0x34: {  	[smem:$0x3FB0] =	sst s10  }
0x35: {  	s10 =	sld [smem:$0x3FAF];
	_ =	sdelay $0x3  }
0x36: {  	p1 =	seq.s32 s10, $0x1;
	s10 =	sld [smem:$0x3FB0];
	_ =	sdelay $0x3  }
0x37: {  	[smem:$0x3FB0] =	sst s10  }
0x38: {  	s10 =	sld [smem:$0x3FB1]  }
0x39: {  	_ = 	snop;
	(pc) =	sbr.ind lr, $3  }
0x3a: {  	_ = 	snop  }
0x3b: {  	_ = 	snop  }
0x3c: {  	p2 =	seq.s32 s10, $0x1;
	s10 =	sld [smem:$0x3FB0]  }
0x3d: {  	_ =	shalt  }
0x3e: {  	_ =	shalt  }
0x3f: {  	_ =	shalt  }
0x40: {  	_ =	shalt  }
0x41: {  	_ =	shalt  }
0x42: {  	_ =	shalt  }
0x43: {  	_ =	shalt  }
0x44: {  	_ =	shalt  }
0x45: {  	_ =	shalt  }
0x46: {  	_ =	shalt  }
0x47: {  	_ =	shalt  }
0x48: {  	_ =	shalt  }
0x49: {  	_ =	shalt  }
0x4a: {  	_ =	shalt  }
0x4b: {  	_ =	shalt  }
0x4c: {  	_ =	shalt  }
0x4d: {  	_ =	shalt  }
0x4e: {  	_ =	shalt  }
0x4f: {  	_ =	shalt  }
0x50: {  	_ =	shalt  }
0x51: {  	_ =	shalt  }
0x52: {  	_ =	shalt  }
0x53: {  	_ =	shalt  }
0x54: {  	_ =	shalt  }
0x55: {  	_ =	shalt  }
0x56: {  	_ =	shalt  }
0x57: {  	_ =	shalt  }
0x58: {  	_ =	shalt  }
0x59: {  	_ =	shalt  }
0x5a: {  	_ =	shalt  }
0x5b: {  	_ =	shalt  }
0x5c: {  	_ =	shalt  }
0x5d: {  	_ =	shalt  }
0x5e: {  	_ =	shalt  }
0x5f: {  	_ =	shalt  }
0x60: {  	_ =	shalt  }
0x61: {  	_ =	shalt  }
0x62: {  	_ =	shalt  }
0x63: {  	_ =	shalt  }
0x64: {  	_ =	shalt  }
0x65: {  	_ =	shalt  }
0x66: {  	_ =	shalt  }
0x67: {  	_ =	shalt  }
0x68: {  	_ =	shalt  }
0x69: {  	_ =	shalt  }
0x6a: {  	_ =	shalt  }
0x6b: {  	_ =	shalt  }
0x6c: {  	_ =	shalt  }
0x6d: {  	_ =	shalt  }
0x6e: {  	_ =	shalt  }
0x6f: {  	_ =	shalt  }
0x70: {  	_ =	shalt  }
0x71: {  	_ =	shalt  }
0x72: {  	_ =	shalt  }
0x73: {  	_ =	shalt  }
0x74: {  	_ =	shalt  }
0x75: {  	_ =	shalt  }
0x76: {  	_ =	shalt  }
0x77: {  	_ =	shalt  }
0x78: {  	_ =	shalt  }
0x79: {  	_ =	shalt  }
0x7a: {  	_ =	shalt  }
0x7b: {  	_ =	shalt  }
0x7c: {  	_ =	shalt  }
0x7d: {  	_ =	shalt  }
0x7e: {  	_ =	shalt  }
0x7f: {  	_ =	shalt  }
0x80: {  	_ =	shalt  }
0x81: {  	_ =	shalt  }
0x82: {  	_ =	shalt  }
0x83: {  	_ =	shalt  }
0x84: {  	_ =	shalt  }
0x85: {  	_ =	shalt  }
0x86: {  	_ =	shalt  }
0x87: {  	_ =	shalt  }
.Lfunc_end0:
.L_simem_size_0:
called_computation_lowered:
.L_overlay_start_0:
0x88: {  	s2 =	sld [smem:$0x3FD9]  }
0x89: {  	s3 =	sld [smem:$0x3FFE];
	_ =	sdelay $0x1  }
0x8a: {  	s1 =	srdreg.scid  }
0x8b: {  	s0 =	sand.u32 $0x1, s1  }
0x8c: {  	s16 =	sshll.u32 s0, $0xA;
	s2 =	sadd.s32 s3, s2  }
0x8d: {  	s2 =	sadd.s32 s2, s16  }
0x8e: {  	[smem:$0x3FBC] =	sst s2  }
0x8f: {  	_ = 	snop  }
0x90: {  	(tm) =	ssettm $0x1  }
0x91: {  	s17 =	sld [smem:$0x3FFB];
	_ =	sdelay $0x3  }
0x92: {  	_ =	strace s17  }
0x93: {  	s2 =	sld [smem:$0x3FFC];
	_ =	sdelay $0x3  }
0x94: {  	_ =	strace s2  }
0x95: {  	s2 =	sld [smem:$0x3FFD];
	_ =	sdelay $0x3  }
0x96: {  	_ =	strace s2  }
0x97: {  	_ =	strace $0x8FFFFFFF  }
0x98: {  	s18 =	sld [smem:$0x3FDB];
	_ =	sdelay $0x1  }
0x99: {  	s19 =	simm.s32 $_scs_section_size  }
0x9a: {  	s4 =	simm.s32 $_size__tile_overlayer_lowered;
	s5 =	simm.s32 $_tile_overlayer_lowered  }
0x9b: {  	s22 =	simm.s32 $0x1BFF;
	s21 =	sshll.u32 s5, $0x1;
	s2 =	sadd.s32 s19, s18  }
0x9c: {  	s6 =	simm.s32 $0x0;
	s20 =	sshll.u32 s4, $0x1;
	s4 =	sadd.s32 s21, s2  }
0x9d: {  	[timem:s6], [sflag:s22] =	dma.local [hbm:s4], s20  }
0x9e: {  	_ =	swait.ge [sflag:s22], s20  }
0x9f: {  	s3 =	ssub.s32 $0x0, s20;
	[sflag:s22] =	ssyncset.done $0x0  }
0xa0: {  	[sflag:s22] =	ssyncadd.s32 s3;
	_ =	sdelay $0x1  }
0xa1: {  	s23 =	simm.s32 $0x1B8B  }
0xa2: {  	_ =	swait.ge [sflag:s23], $0x1  }
0xa3: {  	[sflag:s23] =	ssyncset.done $0x0  }
0xa4: {  	s25 =	simm.s32 $0x1B8E;
	s24 =	sld [smem:$0x3FFE];
	[sflag:s23] =	ssyncadd.s32 $0xFFFFFFFF  }
0xa5: {  	s26 =	simm.s32 $execute0_lowered;
	[smem:$0x3FD2] =	sst s25  }
0xa6: {  	s4 =	sshll.u32 s26, $0x1;
	_ =	strace $0x80000046;
	[dreg:$0x1] =	wrdreg $0xFFFFFFFF  }
0xa7: {  	s28 =	simm.s32 $_size_execute0_lowered;
	s2 =	sadd.s32 s2, s4;
	[dreg:$0x0] =	wrdreg $0x0  }
0xa8: {  	s4 =	sshll.u32 s28, $0x1;
	[dreg:$0x2] =	wrdreg s2  }
0xa9: {  	[dreg:$0x3] =	wrdreg s4  }
0xaa: {  	[dreg:$0x4] =	wrdreg $0xC0  }
0xab: {  	_ =	task [dreg:s6], $0x5FFFF  }
0xac: {  	[dreg:$0x1] =	wrdreg $0xFFFFFFFF  }
0xad: {  	[dreg:$0x0] =	wrdreg $0x60  }
0xae: {  	[dreg:$0x2] =	wrdreg s24  }
0xaf: {  	[dreg:$0x3] =	wrdreg $0x0  }
0xb0: {  	[dreg:$0x4] =	wrdreg $0x1D0000  }
0xb1: {  	[dreg:$0x5] =	wrdreg $0x9  }
0xb2: {  	_ =	task.clear_ibuf [dreg:s6], $0x6FFFF;
	_ =	strace $0x90000046  }
0xb3: {  	s29 =	simm.s32 $0x9;
	_ =	strace $0x80000048  }
0xb4: {  	_ =	swait.ge [sflag:s29], $0x1  }
0xb5: {  	[sflag:s29] =	ssyncadd.s32 $0xFFFFFFFF  }
0xb6: {  	_ =	strace $0x90000048  }
0xb7: {  	_ =	sfence  }
0xb8: {  	s30 =	sld [smem:$0x0];
	_ =	sdelay $0x2  }
0xb9: {  	s31 =	sshll.u32 s1, $0xD;
	s1 =	sshrl.u32 s1, $0x2  }
0xba: {  	s3 =	sand.u32 $0x4000, s31;
	s1 =	sadd.s32 s1, s30  }
0xbb: {  	s0 =	sor.u32 s3, s0;
	s1 =	sshll.u32 s1, $0x11  }
0xbc: {  	s0 =	sor.u32 s1, s0  }
0xbd: {  	s0 =	sadd.s32 $0x8F2B, s0  }
0xbe: {  	[sflag:s0] =	ssyncadd.remote.s32 $0x1  }
0xbf: {  	_ =	sfence.sel $0xFFFF  }
0xc0: {  	[dreg:$0x0] =	wrdreg $0xFFFFFFFF;
	(pc) =	sbr.abs _section_cstart, $3  }
0xc1: {  	[dreg:$0x1] =	wrdreg $0xFFFFFFFF  }
0xc2: {  	_ =	task.clear_ibuf [dreg:s6], $0x2FFFF;
	_ =	strace $0x9FFFFFFF  }
0xc3: {  	(tm) =	ssettm $0x7FFFFFFF  }
tec
execute0_lowered:
.L_overlay_start_1:
0x0: {  	(tag) =	ssettag $0x1  }
0x1: {  	s0 =	rddreg [dreg:$0x0]  }
0x2: {  	s2 =	rddreg [dreg:$0x1]  }
0x3: {  	s3 =	rddreg [dreg:$0x2]  }
0x4: {  	s4 =	simm.s32 $0x0;
	s18 =	stileid.u32;
	s1 =	srdreg.scid  }
0x5: {  	s28 =	simm.s32 $0x18A00;
	s29 =	simm.s32 $0x18E00;
	s30 =	simm.s32 $0x1B000  }
0x6: {  	s31 =	simm.s32 $0x1;
	[smem:$0x7FF] =	sst s4;
	s6 =	smul.u32 $0x18800, s18  }
0x7: {  	s1 =	sand.u32 $0x1, s1;
	s5 =	sadd.s32 $0xC6C00, s0;
	s10 =	smul.u32 $0x1880, s18  }
0x8: {  	s9 =	sadd.s32 $0x2C00, s0;
	s11 =	sadd.s32 $0x64C00, s0;
	s19 =	smul.u32 $0x31000, s18  }
0x9: {  	s16 =	sshll.u32 s18, $0x1;
	_ =	strace $0x80000047;
	s7 =	smul.u32 $0x188000, s1  }
0xa: {  	s13 =	smul.u32 $0x18800, s1;
	s15 =	ssub.s32 $0x2, s1;
	s1 =	sor.u32 s1, s16  }
0xb: {  	s8 =	sshrl.u32 s6, $0x3;
	s12 =	sshrl.u32 s10, $0x3;
	s17 =	sshrl.u32 s15, $0x1  }
0xc: {  	s1 =	smul.u32 $0x18800, s1;
	s7 =	sadd.s32 s6, s7;
	s8 =	sadd.s32 s8, s0  }
0xd: {  	s12 =	sadd.s32 s12, s0;
	s14 =	sadd.s32 s10, s13;
	s25 =	ssub.s32 s15, s17  }
0xe: {  	s6 =	sadd.s32 s6, s2;
	s15 =	sadd.s32 s10, s3;
	s23 =	sadd.s32 s13, s19  }
0xf: {  	s7 =	sshrl.u32 s7, $0x3;
	s14 =	sshrl.u32 s14, $0x3;
	[dreg:$0x4] =	wrdreg s6  }
0x10: {  	s26 =	sadd.s32 $0xF7C00, s8;
	s8 =	sshll.u32 s18, $0x6;
	[dreg:$0x6] =	wrdreg s15  }
0x11: {  	s1 =	sshrl.u32 s1, $0x3;
	s16 =	sadd.s32 $0x128C00, s12;
	s21 =	smax.u32 s25, $0x1  }
0x12: {  	s25 =	sor.u32 $0x400, s23;
	s6 =	simm.s32 $0x2;
	s7 =	sadd.s32 s7, s0  }
0x13: {  	s0 =	sadd.s32 s14, s0;
	[dreg:$0x5] =	wrdreg s26;
	s8 =	sor.u32 $0x1C05, s8  }
0x14: {  	[dreg:$0x7] =	wrdreg s16;
	s17 =	sadd.s32 s9, s1;
	s20 =	sadd.s32 s11, s1  }
0x15: {  	[dreg:$0xc] =	wrdreg s21;
	s22 =	sadd.s32 $0x30C0, s1;
	s1 =	sor.u32 $0x200, s23  }
0x16: {  	s26 =	sshrl.u32 s25, $0x3;
	s23 =	simm.s32 $0x18800;
	[dreg:$0x8] =	wrdreg s17  }
0x17: {  	s25 =	simm.s32 $0x200;
	[dreg:$0x9] =	wrdreg s20;
	s7 =	sadd.s32 $0x132000, s7  }
0x18: {  	s0 =	sadd.s32 $0x12BE00, s0;
	s24 =	sadd.s32 s9, s22;
	s17 =	sadd.s32 s11, s22  }
0x19: {  	s1 =	sshrl.u32 s1, $0x3;
	s18 =	sadd.s32 s26, s11;
	[dreg:$0xa] =	wrdreg s7  }
0x1a: {  	s19 =	sadd.s32 s26, s9;
	s22 =	simm.s32 $0x5;
	[dreg:$0xb] =	wrdreg s0  }
0x1b: {  	s26 =	simm.s32 $0x19000;
	[dreg:$0xd] =	wrdreg s24;
	s20 =	sadd.s32 s1, s11  }
0x1c: {  	s21 =	sadd.s32 s1, s9;
	s24 =	simm.s32 $0x18C00;
	s0 =	simm.s32 $0x1E880  }
0x1d: {  	v0 =	vimm.f32 $1.000000000e+00;
	s1 =	simm.s32 $0x3;
	s7 =	simm.s32 $0x4;
	s9 =	simm.s32 $0x0  }
.LBB2_1:
0x1e: {  	s10 =	rddreg [dreg:$0x4]  }
0x1f: {  	s11 =	rddreg [dreg:$0x5];
	s10 =	sshrl.u32 s10, $0x3  }
0x20: {  	[spmem:s10], [sflag:s8] =	dma.local [hbm:s11], $0x3100  }
0x21: {  	_ =	swait.ge [sflag:s22], $0x3100  }
0x22: {  	[sflag:s22] =	ssyncset.done $0x0;
	s14 =	rddreg [dreg:$0x6]  }
0x23: {  	s12 =	rddreg [dreg:$0x7];
	[sflag:s22] =	ssyncadd.s32 $0xFFFFCF00;
	s11 =	sshrl.u32 s14, $0x3  }
0x24: {  	[spmem:s11], [sflag:s8] =	dma.local [hbm:s12], $0x310  }
0x25: {  	_ =	swait.ge [sflag:s22], $0x310  }
0x26: {  	[sflag:s22] =	ssyncset.done $0x0  }
0x27: {  	[sflag:s22] =	ssyncadd.s32 $0xFFFFFCF0  }
0x28: {  	[tilespmem:$0x1E880] =	vst v0  }
0x29: {  	[tilespmem:$0x1E890] =	vst v0  }
0x2a: {  	[tilespmem:$0x1E8A0] =	vst v0  }
0x2b: {  	[tilespmem:$0x1E8B0] =	vst v0  }
0x2c: {  	[tilespmem:$0x1E8C0] =	vst v0  }
0x2d: {  	[tilespmem:$0x1E8D0] =	vst v0  }
0x2e: {  	[tilespmem:$0x1E8E0] =	vst v0  }
0x2f: {  	[tilespmem:$0x1E8F0] =	vst v0  }
0x30: {  	[tilespmem:$0x1E900] =	vst v0  }
0x31: {  	[tilespmem:$0x1E910] =	vst v0  }
0x32: {  	[tilespmem:$0x1E920] =	vst v0  }
0x33: {  	[tilespmem:$0x1E930] =	vst v0  }
0x34: {  	[tilespmem:$0x1E940] =	vst v0  }
0x35: {  	[tilespmem:$0x1E950] =	vst v0  }
0x36: {  	[tilespmem:$0x1E960] =	vst v0  }
0x37: {  	[tilespmem:$0x1E970] =	vst v0  }
0x38: {  	[tilespmem:$0x1E980] =	vst v0  }
0x39: {  	[tilespmem:$0x1E990] =	vst v0  }
0x3a: {  	[tilespmem:$0x1E9A0] =	vst v0  }
0x3b: {  	[tilespmem:$0x1E9B0] =	vst v0  }
0x3c: {  	[tilespmem:$0x1E9C0] =	vst v0  }
0x3d: {  	[tilespmem:$0x1E9D0] =	vst v0  }
0x3e: {  	[tilespmem:$0x1E9E0] =	vst v0  }
0x3f: {  	[tilespmem:$0x1E9F0] =	vst v0  }
0x40: {  	[tilespmem:$0x1EA00] =	vst v0  }
0x41: {  	[tilespmem:$0x1EA10] =	vst v0  }
0x42: {  	[tilespmem:$0x1EA20] =	vst v0  }
0x43: {  	[tilespmem:$0x1EA30] =	vst v0  }
0x44: {  	[tilespmem:$0x1EA40] =	vst v0  }
0x45: {  	[tilespmem:$0x1EA50] =	vst v0  }
0x46: {  	[tilespmem:$0x1EA60] =	vst v0  }
0x47: {  	[tilespmem:$0x1EA70] =	vst v0  }
0x48: {  	[bflag:$0x0] =	sbarrier.arrive $0xFFFF  }
0x49: {  	s15 =	rddreg [dreg:$0x8]  }
0x4a: {  	[tilespmem:s23], [sflag:$0x5] =	stream.linear.gather [hbm4b:s15+s4], $0x200, $0x38;
	[tilespmem:$0x1EA80] =	vst v63  }
0x4b: {  	_ =	swait.ge [sflag:s22], $0x200  }
0x4c: {  	[sflag:s22] =	ssyncset.done $0x0  }
0x4d: {  	s16 =	rddreg [dreg:$0x9];
	[sflag:s22] =	ssyncadd.s32 $0xFFFFFE00  }
0x4e: {  	[tilespmem:s24], [sflag:$0x5] =	stream.linear.gather [hbm4b:s16+s4], $0x200, $0x38;
	[tilespmem:$0x1EA80] =	vst v63  }
0x4f: {  	_ =	swait.ge [sflag:s22], $0x200  }
0x50: {  	[sflag:s22] =	ssyncset.done $0x0  }
0x51: {  	[sflag:s22] =	ssyncadd.s32 $0xFFFFFE00  }
0x52: {  	[tilespmem:s26], [sflag:$0x1] =	stream.indirect.gather [hbm4b:s5+s25], $0x10, s23, s25, $0xb8;
	[tilespmem:$0x1EA80] =	vst v63  }
0x53: {  	s13 =	sadd.s32 $0x0, s21  }
0x54: {  	[tilespmem:s28], [sflag:$0x5] =	stream.linear.gather [hbm4b:s13+s4], $0x200, $0x38;
	[tilespmem:$0x1EA80] =	vst v63  }
0x55: {  	_ =	swait.ge [sflag:s22], $0x200  }
0x56: {  	[sflag:s22] =	ssyncset.done $0x0  }
0x57: {  	s14 =	sadd.s32 $0x0, s20;
	[sflag:s22] =	ssyncadd.s32 $0xFFFFFE00  }
0x58: {  	[tilespmem:s29], [sflag:$0x5] =	stream.linear.gather [hbm4b:s14+s4], $0x200, $0x38;
	[tilespmem:$0x1EA80] =	vst v63  }
0x59: {  	_ =	swait.ge [sflag:s22], $0x200  }
0x5a: {  	[sflag:s22] =	ssyncset.done $0x0  }
0x5b: {  	[sflag:s22] =	ssyncadd.s32 $0xFFFFFE00  }
0x5c: {  	[tilespmem:s30], [sflag:$0x2] =	stream.indirect.gather [hbm4b:s5+s25], $0x10, s28, s25, $0xb8;
	[tilespmem:$0x1EA80] =	vst v63  }
0x5d: {  	_ =	swait.ge [sflag:s31], $0x2000  }
0x5e: {  	[sflag:s31] =	ssyncset.done $0x0  }
0x5f: {  	[sflag:s31] =	ssyncadd.s32 $0xFFFFE000  }
0x60: {  	[spmem:s2] =	stream.indirect.scatter.add.f32 [tilespmem:s26], [sflag:$0x3], $0x10, s24, s25, $0xb8;
	[tilespmem:$0x1EA80] =	vst v63  }
0x61: {  	_ = 	snop  }
0x62: {  	[spmem:s3] =	stream.indirect.scatter.add.f32 [tilespmem:s0], [sflag:$0x3], $0x1, s24, s25, $0xb8;
	[tilespmem:$0x1EA80] =	vst v63  }
0x63: {  	_ =	swait.ge [sflag:s1], $0x2000  }
0x64: {  	[sflag:s1] =	ssyncset.done $0x0  }
0x65: {  	[sflag:s1] =	ssyncadd.s32 $0xFFFFE000  }
0x66: {  	_ =	swait.ge [sflag:s1], $0x200  }
0x67: {  	[sflag:s1] =	ssyncset.done $0x0  }
0x68: {  	s15 =	sadd.s32 $0x0, s19;
	[sflag:s1] =	ssyncadd.s32 $0xFFFFFE00  }
0x69: {  	[tilespmem:s23], [sflag:$0x5] =	stream.linear.gather [hbm4b:s15+s4], $0x200, $0x38;
	[tilespmem:$0x1EA80] =	vst v63  }
0x6a: {  	_ =	swait.ge [sflag:s22], $0x200  }
0x6b: {  	[sflag:s22] =	ssyncset.done $0x0  }
0x6c: {  	s16 =	sadd.s32 $0x0, s18;
	[sflag:s22] =	ssyncadd.s32 $0xFFFFFE00  }
0x6d: {  	[tilespmem:s24], [sflag:$0x5] =	stream.linear.gather [hbm4b:s16+s4], $0x200, $0x38;
	[tilespmem:$0x1EA80] =	vst v63  }
0x6e: {  	_ =	swait.ge [sflag:s22], $0x200  }
0x6f: {  	[sflag:s22] =	ssyncset.done $0x0  }
0x70: {  	[sflag:s22] =	ssyncadd.s32 $0xFFFFFE00  }
0x71: {  	[tilespmem:s26], [sflag:$0x1] =	stream.indirect.gather [hbm4b:s5+s25], $0x10, s23, s25, $0xb8;
	[tilespmem:$0x1EA80] =	vst v63  }
0x72: {  	_ =	swait.ge [sflag:s6], $0x2000  }
0x73: {  	[sflag:s6] =	ssyncset.done $0x0  }
0x74: {  	[sflag:s6] =	ssyncadd.s32 $0xFFFFE000  }
0x75: {  	[spmem:s2] =	stream.indirect.scatter.add.f32 [tilespmem:s30], [sflag:$0x4], $0x10, s29, s25, $0xb8;
	[tilespmem:$0x1EA80] =	vst v63  }
0x76: {  	_ = 	snop  }
0x77: {  	[spmem:s3] =	stream.indirect.scatter.add.f32 [tilespmem:s0], [sflag:$0x4], $0x1, s29, s25, $0xb8;
	[tilespmem:$0x1EA80] =	vst v63  }
0x78: {  	_ =	swait.ge [sflag:s7], $0x2000  }
0x79: {  	[sflag:s7] =	ssyncset.done $0x0  }
0x7a: {  	[sflag:s7] =	ssyncadd.s32 $0xFFFFE000  }
0x7b: {  	_ =	swait.ge [sflag:s7], $0x200  }
0x7c: {  	s12 =	simm.s32 $0x80;
	s13 =	simm.s32 $0x100;
	[sflag:s7] =	ssyncset.done $0x0  }
.LBB2_2:
0x7d: {  	s15 =	sadd.s32 s12, s21  }
0x7e: {  	[sflag:s7] =	ssyncadd.s32 $0xFFFFFE00;
	s16 =	smov.u32 s13;
	s14 =	sadd.s32 $0x80, s13  }
0x7f: {  	[tilespmem:s28], [sflag:$0x5] =	stream.linear.gather [hbm4b:s15+s4], $0x200, $0x38;
	[tilespmem:$0x1EA80] =	vst v63  }
0x80: {  	p0 =	sne.s32 s13, $0x3000;
	_ =	swait.ge [sflag:s22], $0x200  }
0x81: {  	[sflag:s22] =	ssyncset.done $0x0  }
0x82: {  	s13 =	sadd.s32 s12, s20;
	[sflag:s22] =	ssyncadd.s32 $0xFFFFFE00  }
0x83: {  	[tilespmem:s29], [sflag:$0x5] =	stream.linear.gather [hbm4b:s13+s4], $0x200, $0x38;
	[tilespmem:$0x1EA80] =	vst v63  }
0x84: {  	_ =	swait.ge [sflag:s22], $0x200  }
0x85: {  	[sflag:s22] =	ssyncset.done $0x0  }
0x86: {  	[sflag:s22] =	ssyncadd.s32 $0xFFFFFE00  }
0x87: {  	[tilespmem:s30], [sflag:$0x2] =	stream.indirect.gather [hbm4b:s5+s25], $0x10, s28, s25, $0xb8;
	[tilespmem:$0x1EA80] =	vst v63  }
0x88: {  	_ =	swait.ge [sflag:s31], $0x2000  }
0x89: {  	[sflag:s31] =	ssyncset.done $0x0  }
0x8a: {  	[sflag:s31] =	ssyncadd.s32 $0xFFFFE000  }
0x8b: {  	[spmem:s2] =	stream.indirect.scatter.add.f32 [tilespmem:s26], [sflag:$0x3], $0x10, s24, s25, $0xb8;
	[tilespmem:$0x1EA80] =	vst v63  }
0x8c: {  	_ = 	snop  }
0x8d: {  	[spmem:s3] =	stream.indirect.scatter.add.f32 [tilespmem:s0], [sflag:$0x3], $0x1, s24, s25, $0xb8;
	[tilespmem:$0x1EA80] =	vst v63  }
0x8e: {  	_ =	swait.ge [sflag:s1], $0x2000  }
0x8f: {  	[sflag:s1] =	ssyncset.done $0x0  }
0x90: {  	[sflag:s1] =	ssyncadd.s32 $0xFFFFE000  }
0x91: {  	_ =	swait.ge [sflag:s1], $0x200  }
0x92: {  	[sflag:s1] =	ssyncset.done $0x0  }
0x93: {  	s13 =	sadd.s32 s12, s19;
	[sflag:s1] =	ssyncadd.s32 $0xFFFFFE00  }
0x94: {  	[tilespmem:s23], [sflag:$0x5] =	stream.linear.gather [hbm4b:s13+s4], $0x200, $0x38;
	[tilespmem:$0x1EA80] =	vst v63  }
0x95: {  	_ =	swait.ge [sflag:s22], $0x200  }
0x96: {  	[sflag:s22] =	ssyncset.done $0x0  }
0x97: {  	s13 =	sadd.s32 s12, s18;
	s12 =	smov.u32 s16;
	[sflag:s22] =	ssyncadd.s32 $0xFFFFFE00  }
0x98: {  	[tilespmem:s24], [sflag:$0x5] =	stream.linear.gather [hbm4b:s13+s4], $0x200, $0x38;
	[tilespmem:$0x1EA80] =	vst v63  }
0x99: {  	_ =	swait.ge [sflag:s22], $0x200  }
0x9a: {  	[sflag:s22] =	ssyncset.done $0x0  }
0x9b: {  	[sflag:s22] =	ssyncadd.s32 $0xFFFFFE00  }
0x9c: {  	[tilespmem:s26], [sflag:$0x1] =	stream.indirect.gather [hbm4b:s5+s25], $0x10, s23, s25, $0xb8;
	[tilespmem:$0x1EA80] =	vst v63  }
0x9d: {  	_ =	swait.ge [sflag:s6], $0x2000  }
0x9e: {  	[sflag:s6] =	ssyncset.done $0x0  }
0x9f: {  	[sflag:s6] =	ssyncadd.s32 $0xFFFFE000  }
0xa0: {  	[spmem:s2] =	stream.indirect.scatter.add.f32 [tilespmem:s30], [sflag:$0x4], $0x10, s29, s25, $0xb8;
	[tilespmem:$0x1EA80] =	vst v63  }
0xa1: {  	_ = 	snop  }
0xa2: {  	[spmem:s3] =	stream.indirect.scatter.add.f32 [tilespmem:s0], [sflag:$0x4], $0x1, s29, s25, $0xb8;
	[tilespmem:$0x1EA80] =	vst v63  }
.Ltmp0:
0xa3: {  	_ =	swait.ge [sflag:s7], $0x2000;
	(pc) =	sbr.rel @p0 .LBB2_2-.Ltmp0, $4  }
0xa4: {  	[sflag:s7] =	ssyncset.done $0x0  }
0xa5: {  	[sflag:s7] =	ssyncadd.s32 $0xFFFFE000  }
0xa6: {  	_ =	swait.ge [sflag:s7], $0x200  }
0xa7: {  	s13 =	smov.u32 s14;
	[sflag:s7] =	ssyncset.done $0x0  }
0xa8: {  	s13 =	sadd.s32 s12, s21;
	[sflag:s7] =	ssyncadd.s32 $0xFFFFFE00  }
0xa9: {  	[tilespmem:s28], [sflag:$0x5] =	stream.linear.gather [hbm4b:s13+s4], $0x200, $0x38;
	[tilespmem:$0x1EA80] =	vst v63  }
0xaa: {  	_ =	swait.ge [sflag:s22], $0x200  }
0xab: {  	[sflag:s22] =	ssyncset.done $0x0  }
0xac: {  	s14 =	sadd.s32 s12, s20;
	[sflag:s22] =	ssyncadd.s32 $0xFFFFFE00  }
0xad: {  	[tilespmem:s29], [sflag:$0x5] =	stream.linear.gather [hbm4b:s14+s4], $0x200, $0x38;
	[tilespmem:$0x1EA80] =	vst v63  }
0xae: {  	_ =	swait.ge [sflag:s22], $0x200  }
0xaf: {  	[sflag:s22] =	ssyncset.done $0x0  }
0xb0: {  	[sflag:s22] =	ssyncadd.s32 $0xFFFFFE00  }
0xb1: {  	[tilespmem:s30], [sflag:$0x2] =	stream.indirect.gather [hbm4b:s5+s25], $0x10, s28, s25, $0xb8;
	[tilespmem:$0x1EA80] =	vst v63  }
0xb2: {  	_ =	swait.ge [sflag:s31], $0x2000  }
0xb3: {  	[sflag:s31] =	ssyncset.done $0x0  }
0xb4: {  	[sflag:s31] =	ssyncadd.s32 $0xFFFFE000  }
0xb5: {  	[spmem:s2] =	stream.indirect.scatter.add.f32 [tilespmem:s26], [sflag:$0x3], $0x10, s24, s25, $0xb8;
	[tilespmem:$0x1EA80] =	vst v63  }
0xb6: {  	_ = 	snop  }
0xb7: {  	[spmem:s3] =	stream.indirect.scatter.add.f32 [tilespmem:s0], [sflag:$0x3], $0x1, s24, s25, $0xb8;
	[tilespmem:$0x1EA80] =	vst v63  }
0xb8: {  	_ =	swait.ge [sflag:s1], $0x2000  }
0xb9: {  	[sflag:s1] =	ssyncset.done $0x0  }
0xba: {  	[sflag:s1] =	ssyncadd.s32 $0xFFFFE000  }
0xbb: {  	_ =	swait.ge [sflag:s1], $0x200  }
0xbc: {  	[sflag:s1] =	ssyncset.done $0x0  }
0xbd: {  	s15 =	sadd.s32 s12, s19;
	[sflag:s1] =	ssyncadd.s32 $0xFFFFFE00  }
0xbe: {  	[tilespmem:s23], [sflag:$0x5] =	stream.linear.gather [hbm4b:s15+s4], $0x200, $0x38;
	[tilespmem:$0x1EA80] =	vst v63  }
0xbf: {  	_ =	swait.ge [sflag:s22], $0x200  }
0xc0: {  	[sflag:s22] =	ssyncset.done $0x0  }
0xc1: {  	s16 =	sadd.s32 s12, s18;
	[sflag:s22] =	ssyncadd.s32 $0xFFFFFE00  }
0xc2: {  	[tilespmem:s24], [sflag:$0x5] =	stream.linear.gather [hbm4b:s16+s4], $0x200, $0x38;
	[tilespmem:$0x1EA80] =	vst v63  }
0xc3: {  	_ =	swait.ge [sflag:s22], $0x200  }
0xc4: {  	[sflag:s22] =	ssyncset.done $0x0  }
0xc5: {  	[sflag:s22] =	ssyncadd.s32 $0xFFFFFE00  }
0xc6: {  	[tilespmem:s26], [sflag:$0x1] =	stream.indirect.gather [hbm4b:s5+s25], $0x10, s23, s25, $0xb8;
	[tilespmem:$0x1EA80] =	vst v63  }
0xc7: {  	_ =	swait.ge [sflag:s6], $0x2000  }
0xc8: {  	[sflag:s6] =	ssyncset.done $0x0  }
0xc9: {  	[sflag:s6] =	ssyncadd.s32 $0xFFFFE000  }
0xca: {  	[spmem:s2] =	stream.indirect.scatter.add.f32 [tilespmem:s30], [sflag:$0x4], $0x10, s29, s25, $0xb8;
	[tilespmem:$0x1EA80] =	vst v63  }
0xcb: {  	_ = 	snop  }
0xcc: {  	[spmem:s3] =	stream.indirect.scatter.add.f32 [tilespmem:s0], [sflag:$0x4], $0x1, s29, s25, $0xb8;
	[tilespmem:$0x1EA80] =	vst v63  }
0xcd: {  	_ =	swait.ge [sflag:s7], $0x2000  }
0xce: {  	[sflag:s7] =	ssyncset.done $0x0  }
0xcf: {  	[sflag:s7] =	ssyncadd.s32 $0xFFFFE000  }
0xd0: {  	_ =	swait.ge [sflag:s7], $0x200  }
0xd1: {  	[sflag:s7] =	ssyncset.done $0x0  }
0xd2: {  	s13 =	rddreg [dreg:$0xd];
	[sflag:s7] =	ssyncadd.s32 $0xFFFFFE00  }
0xd3: {  	[tilespmem:s28], [sflag:$0x5] =	stream.linear.gather [hbm4b:s13+s4], $0x200, $0x38;
	[tilespmem:$0x1EA80] =	vst v63  }
0xd4: {  	_ =	swait.ge [sflag:s22], $0x200  }
0xd5: {  	[sflag:s22] =	ssyncset.done $0x0  }
0xd6: {  	[sflag:s22] =	ssyncadd.s32 $0xFFFFFE00  }
0xd7: {  	[tilespmem:s29], [sflag:$0x5] =	stream.linear.gather [hbm4b:s17+s4], $0x200, $0x38;
	[tilespmem:$0x1EA80] =	vst v63  }
0xd8: {  	_ =	swait.ge [sflag:s22], $0x200  }
0xd9: {  	[sflag:s22] =	ssyncset.done $0x0  }
0xda: {  	[sflag:s22] =	ssyncadd.s32 $0xFFFFFE00  }
0xdb: {  	[tilespmem:s30], [sflag:$0x2] =	stream.indirect.gather [hbm4b:s5+s25], $0x10, s28, s25, $0xb8;
	[tilespmem:$0x1EA80] =	vst v63  }
0xdc: {  	_ =	swait.ge [sflag:s31], $0x2000  }
0xdd: {  	[sflag:s31] =	ssyncset.done $0x0  }
0xde: {  	[sflag:s31] =	ssyncadd.s32 $0xFFFFE000  }
0xdf: {  	[spmem:s2] =	stream.indirect.scatter.add.f32 [tilespmem:s26], [sflag:$0x3], $0x10, s24, s25, $0xb8;
	[tilespmem:$0x1EA80] =	vst v63  }
0xe0: {  	_ = 	snop  }
0xe1: {  	[spmem:s3] =	stream.indirect.scatter.add.f32 [tilespmem:s0], [sflag:$0x3], $0x1, s24, s25, $0xb8;
	[tilespmem:$0x1EA80] =	vst v63  }
0xe2: {  	_ =	swait.ge [sflag:s1], $0x2000  }
0xe3: {  	[sflag:s1] =	ssyncset.done $0x0  }
0xe4: {  	[sflag:s1] =	ssyncadd.s32 $0xFFFFE000  }
0xe5: {  	_ =	swait.ge [sflag:s1], $0x200  }
0xe6: {  	[sflag:s1] =	ssyncset.done $0x0  }
0xe7: {  	[sflag:s1] =	ssyncadd.s32 $0xFFFFFE00  }
0xe8: {  	_ =	swait.ge [sflag:s6], $0x2000  }
0xe9: {  	[sflag:s6] =	ssyncset.done $0x0  }
0xea: {  	[sflag:s6] =	ssyncadd.s32 $0xFFFFE000  }
0xeb: {  	[spmem:s2] =	stream.indirect.scatter.add.f32 [tilespmem:s30], [sflag:$0x4], $0x10, s29, s25, $0xb8;
	[tilespmem:$0x1EA80] =	vst v63  }
0xec: {  	_ = 	snop  }
0xed: {  	[spmem:s3] =	stream.indirect.scatter.add.f32 [tilespmem:s0], [sflag:$0x4], $0x1, s29, s25, $0xb8;
	[tilespmem:$0x1EA80] =	vst v63  }
0xee: {  	_ =	swait.ge [sflag:s7], $0x2000  }
0xef: {  	[sflag:s7] =	ssyncset.done $0x0  }
0xf0: {  	[sflag:s7] =	ssyncadd.s32 $0xFFFFE000  }
0xf1: {  	_ =	swait.ge [sflag:s7], $0x200  }
0xf2: {  	[sflag:s7] =	ssyncset.done $0x0  }
0xf3: {  	[sflag:s7] =	ssyncadd.s32 $0xFFFFFE00  }
0xf4: {  	[bflag:$0x0] =	sbarrier.arrive $0xFFFF  }
0xf5: {  	s14 =	rddreg [dreg:$0xa]  }
0xf6: {  	[hbm:s14], [sflag:s8] =	dma.local [spmem:s10], $0x3100  }
0xf7: {  	_ =	swait.ge [sflag:s22], $0x3100  }
0xf8: {  	[sflag:s22] =	ssyncset.done $0x0  }
0xf9: {  	s15 =	rddreg [dreg:$0xb];
	[sflag:s22] =	ssyncadd.s32 $0xFFFFCF00  }
0xfa: {  	[hbm:s15], [sflag:s8] =	dma.local [spmem:s11], $0x310  }
0xfb: {  	_ =	swait.ge [sflag:s22], $0x310  }
0xfc: {  	s9 =	sadd.s32 $0x1, s9;
	s16 =	rddreg [dreg:$0xc]  }
0xfd: {  	p0 =	sne.s32 s9, s16  }
.Ltmp1:
0xfe: {  	_ = 	snop;
	(pc) =	sbr.rel @p0 .LBB2_1-.Ltmp1, $3  }
0xff: {  	_ =	sdelay $0x1  }
0x100: {  	[sflag:s22] =	ssyncset.done $0x0  }
0x101: {  	[sflag:s22] =	ssyncadd.s32 $0xFFFFFCF0  }
0x102: {  	_ =	sfence.sel $0x180000  }
0x103: {  	[bflag:$0x0] =	sbarrier.arrive $0xFFFF  }
0x104: {  	_ =	strace $0x90000047  }
0x105: {  	s0 =	stileid.u32;
	[bflag:$0x2] =	sbarrier.arrive $0xFFFF  }
0x106: {  	p0 =	sne.s32 s0, $0x0;
	s0 =	rddreg [dreg:$0x3]  }
0x107: {  	s0 =	sadd.s32 @!p0 $0x100000, s0  }
0x108: {  	[sflag:s0] =	ssyncadd.tile.s32 @!p0 $0x1;
	_ =	shalt  }
.Lfunc_end2:
_tile_overlayer_lowered:
.L_overlay_start_2:
0x109: {  	(tag) =	ssettag $0x2  }
0x10a: {  	s0 =	rddreg [dreg:$0x0];
	s2 =	stileid.u32  }
0x10b: {  	s1 =	rddreg [dreg:$0x1];
	p0 =	sne.s32 s2, $0x0  }
0x10c: {  	s3 =	rddreg [dreg:$0x2];
	[bflag:$0x3] =	sbarrier.arrive $0xFFFF;
	s2 =	simm.s32 @!p0 $0x1C05  }
0x10d: {  	[timem:s3], [sflag:s2] =	dma.local @!p0 [hbm:s0], s1  }
0x10e: {  	s0 =	simm.s32 @!p0 $0x5  }
0x10f: {  	_ =	swait.ge @!p0 [sflag:s0], s1  }
0x110: {  	s1 =	ssub.s32 @!p0 $0x0, s1;
	[sflag:s0] =	ssyncset.done @!p0 $0x0  }
0x111: {  	[sflag:s0] =	ssyncadd.s32 @!p0 s1  }
0x112: {  	[bflag:$0x3] =	sbarrier.arrive $0xFFFF  }
0x113: {  	_ =	shalt  }

</sc_bundles>
